<compile_context>
chip_gen: v7x
topology: tpu7x:2x2x1
jax: 0.10.2.dev20260603
libtpu: 0.0.44.dev20260713+nightly
codegen_flags: <defaults>
</compile_context>

<pallas_src>
import functools

import jax
import jax.numpy as jnp
from jax import lax
from jax.experimental import pallas as pl
from jax.experimental.pallas import tpu as pltpu
from jax.experimental.pallas import tpu_sc as plsc

EMBED_DIM = 128
NUM_CORES = 2
NUM_SUBCORES = 16
NUM_WORKERS = NUM_CORES * NUM_SUBCORES
CHUNK = 128
NBUF = 5
LEAD = 2


def _make_gather(total_rows: int):
    assert total_rows % (NUM_WORKERS * CHUNK) == 0
    rows_per_w = total_rows // NUM_WORKERS
    chunks = rows_per_w // CHUNK
    assert chunks % NBUF == 0 and chunks > NBUF

    mesh = plsc.VectorSubcoreMesh(
        core_axis_name="c", subcore_axis_name="s")

    @functools.partial(
        pl.kernel,
        out_type=jax.ShapeDtypeStruct((total_rows, EMBED_DIM), jnp.float32),
        mesh=mesh,
        scratch_types=[
            pltpu.VMEM((chunks, CHUNK), jnp.int32),
            pltpu.VMEM((NBUF, CHUNK, EMBED_DIM), jnp.float32),
        ] + [pltpu.SemaphoreType.DMA] * (2 * NBUF),
    )
    def gather_kernel(idx_hbm, table_hbm, out_hbm, idx_v, rows_v, *sems):
        gsem = sems[:NBUF]
        ssem = sems[NBUF:]
        wid = lax.axis_index("s") * NUM_CORES + lax.axis_index("c")
        base = wid * rows_per_w

        pltpu.sync_copy(idx_hbm.at[wid], idx_v)

        for b in range(LEAD):
            pltpu.async_copy(table_hbm.at[idx_v.at[b]], rows_v.at[b], gsem[b])

        @pl.loop(0, chunks, step=NBUF)
        def _(g):
            for b in range(NBUF):
                n = g + b
                row0 = base + n * CHUNK
                pltpu.make_async_copy(
                    table_hbm.at[idx_v.at[n]], rows_v.at[b], gsem[b]).wait()
                pltpu.async_copy(
                    rows_v.at[b], out_hbm.at[pl.ds(row0, CHUNK)], ssem[b])

                m = n + LEAD
                bm = (b + LEAD) % NBUF

                @pl.when((m < chunks) & (m >= NBUF))
                def _():
                    prev0 = base + (m - NBUF) * CHUNK
                    pltpu.make_async_copy(
                        rows_v.at[bm], out_hbm.at[pl.ds(prev0, CHUNK)],
                        ssem[bm]).wait()

                @pl.when(m < chunks)
                def _():
                    pltpu.async_copy(
                        table_hbm.at[idx_v.at[m]], rows_v.at[bm], gsem[bm])

        for b in range(NBUF):
            j = chunks - NBUF + b
            row0 = base + j * CHUNK
            pltpu.make_async_copy(
                rows_v.at[b], out_hbm.at[pl.ds(row0, CHUNK)], ssem[b]).wait()

    return gather_kernel


def kernel(pos_encoding, timesteps):
    batch, hist = timesteps.shape
    total = batch * hist
    rows_per_w = total // NUM_WORKERS
    idx = timesteps.reshape(NUM_WORKERS, rows_per_w // CHUNK, CHUNK)
    out = _make_gather(total)(idx, pos_encoding)
    return out.reshape(batch, hist, pos_encoding.shape[1])

# --- scband reference (transcript-rebuilt; emitter-appended) ---
"""Pipeline reference for scband-temporal-encoding-81819126988959 (READ-ONLY COPY).

The authoritative reference and input builder live on the scoring server;
editing this copy changes nothing except your own understanding.
"""

import jax, jax.numpy as jnp
import numpy as np

EMBED_DIM = 128
MAX_STEPS = 100000
BATCH = 4096
HIST = 200


def _sinusoidal_encoding(max_steps: int, embed_dim: int) -> jnp.ndarray:
    # Standard sinusoidal temporal encoding; values are in [-1, 1] as required
    # by TemporalEncoding.check_validity().
    pos = np.arange(max_steps, dtype=np.float64)[:, None]
    i = np.arange(embed_dim // 2, dtype=np.float64)
    div = np.exp(-np.log(10000.0) * (2.0 * i / embed_dim))
    ang = pos * div[None, :]
    pe = np.zeros((max_steps, embed_dim), dtype=np.float32)
    pe[:, 0::2] = np.sin(ang)
    pe[:, 1::2] = np.cos(ang)
    return jnp.asarray(pe)


def setup_inputs(seed: int = 0) -> dict:
    key = jax.random.key(seed)
    timesteps = jax.random.randint(key, (BATCH, HIST), 0, MAX_STEPS, dtype=jnp.int32)
    pos_encoding = _sinusoidal_encoding(MAX_STEPS, EMBED_DIM)
    return {"pos_encoding": pos_encoding, "timesteps": timesteps}


def reference(pos_encoding, timesteps):
    # Faithful translation of: return self.pos_encoding[timesteps]
    # (row gather from the encoding table)
    return jnp.take(pos_encoding, timesteps, axis=0)

if __name__ == "__main__":
    import jax
    _d = setup_inputs()
    print(jax.jit(kernel)(*tuple(_d.values())))

</pallas_src>

<mosaic_0001>
#map = affine_map<(d0, d1) -> (0, 0, 0)>
#map1 = affine_map<(d0, d1) -> (0, 0)>
module attributes {stable_mosaic.version = 14 : i64} {
  func.func @gather_kernel(%arg0: i32, %arg1: i32, %arg2: memref<32x200x128xi32, #tpu.memory_space<hbm>>, %arg3: memref<100000x128xf32, #tpu.memory_space<hbm>>, %arg4: memref<819200x128xf32, #tpu.memory_space<hbm>>, %arg5: memref<200x128xi32, #tpu.memory_space<vmem>>, %arg6: memref<5x128x128xf32, #tpu.memory_space<vmem>>, %arg7: memref<!tpu.dma_semaphore, #tpu.memory_space<semaphore_mem>>, %arg8: memref<!tpu.dma_semaphore, #tpu.memory_space<semaphore_mem>>, %arg9: memref<!tpu.dma_semaphore, #tpu.memory_space<semaphore_mem>>, %arg10: memref<!tpu.dma_semaphore, #tpu.memory_space<semaphore_mem>>, %arg11: memref<!tpu.dma_semaphore, #tpu.memory_space<semaphore_mem>>, %arg12: memref<!tpu.dma_semaphore, #tpu.memory_space<semaphore_mem>>, %arg13: memref<!tpu.dma_semaphore, #tpu.memory_space<semaphore_mem>>, %arg14: memref<!tpu.dma_semaphore, #tpu.memory_space<semaphore_mem>>, %arg15: memref<!tpu.dma_semaphore, #tpu.memory_space<semaphore_mem>>, %arg16: memref<!tpu.dma_semaphore, #tpu.memory_space<semaphore_mem>>) attributes {dimension_semantics = [#tpu.dimension_semantics<core_parallel>, #tpu.dimension_semantics<subcore_parallel>], iteration_bounds = array<i64: 2, 16>, scalar_prefetch = 0 : i64, scratch_operands = 12 : i64, tpu.core_type = #tpu.core_type<sc_vector_subcore>, window_params = [{transform_indices = #map}, {transform_indices = #map1}, {transform_indices = #map1}]} {
    %mul3A = arith.constant 2 : i32
    %mul3A_0 = arith.muli %arg1, %mul3A : i32
    %add3A = arith.addi %mul3A_0, %arg0 : i32
    %mul3A_1 = arith.constant 25600 : i32
    %mul3A_2 = arith.muli %add3A, %mul3A_1 : i32
    "tpu.region"() ({
      %run_scoped3A = tpu.sem_alloc : memref<!tpu.dma_semaphore, #tpu.memory_space<semaphore_mem>>
      %dma_start3A_104 = arith.constant 0 : i32
      %dma_start3A_105 = arith.constant 0 : i32
      %dma_start3A_106 = tpu.memref_slice %arg2[%add3A, %dma_start3A_104, %dma_start3A_105] : memref<32x200x128xi32, #tpu.memory_space<hbm>> -> memref<1x200x128xi32, #tpu.memory_space<hbm>>
      %dma_start3A_107 = tpu.memref_squeeze %dma_start3A_106 : memref<1x200x128xi32, #tpu.memory_space<hbm>> -> memref<200x128xi32, #tpu.memory_space<hbm>>
      %dma_start3A_108 = arith.constant 0 : i32
      %dma_start3A_109 = arith.constant 0 : i32
      %dma_start3A_110 = tpu.memref_slice %arg2[%add3A, %dma_start3A_108, %dma_start3A_109] : memref<32x200x128xi32, #tpu.memory_space<hbm>> -> memref<1x200x128xi32, #tpu.memory_space<hbm>>
      %dma_start3A_111 = tpu.memref_squeeze %dma_start3A_110 : memref<1x200x128xi32, #tpu.memory_space<hbm>> -> memref<200x128xi32, #tpu.memory_space<hbm>>
      tpu.enqueue_dma source(%dma_start3A_111 : memref<200x128xi32, #tpu.memory_space<hbm>>) target(%arg5 : memref<200x128xi32, #tpu.memory_space<vmem>>) target_semaphore(%run_scoped3A : memref<!tpu.dma_semaphore, #tpu.memory_space<semaphore_mem>>)
      %dma_wait3A_112 = arith.constant 0 : i32
      %dma_wait3A_113 = arith.constant 0 : i32
      %dma_wait3A_114 = tpu.memref_slice %arg2[%add3A, %dma_wait3A_112, %dma_wait3A_113] : memref<32x200x128xi32, #tpu.memory_space<hbm>> -> memref<1x200x128xi32, #tpu.memory_space<hbm>>
      %dma_wait3A_115 = tpu.memref_squeeze %dma_wait3A_114 : memref<1x200x128xi32, #tpu.memory_space<hbm>> -> memref<200x128xi32, #tpu.memory_space<hbm>>
      %dma_wait3A_116 = arith.constant 0 : i32
      %dma_wait3A_117 = arith.constant 0 : i32
      %dma_wait3A_118 = tpu.memref_slice %arg2[%add3A, %dma_wait3A_116, %dma_wait3A_117] : memref<32x200x128xi32, #tpu.memory_space<hbm>> -> memref<1x200x128xi32, #tpu.memory_space<hbm>>
      %dma_wait3A_119 = tpu.memref_squeeze %dma_wait3A_118 : memref<1x200x128xi32, #tpu.memory_space<hbm>> -> memref<200x128xi32, #tpu.memory_space<hbm>>
      tpu.wait_dma2 semaphore(%run_scoped3A : memref<!tpu.dma_semaphore, #tpu.memory_space<semaphore_mem>>) src(%dma_wait3A_119 : memref<200x128xi32, #tpu.memory_space<hbm>>) dst(%arg5 : memref<200x128xi32, #tpu.memory_space<vmem>>)
      tpu.yield
    }) : () -> ()
    %dma_start3A = arith.constant 0 : i32
    %dma_start3A_3 = arith.constant 0 : i32
    %dma_start3A_4 = arith.constant 0 : i32
    %dma_start3A_5 = arith.constant 0 : i32
    %dma_start3A_6 = tpu.memref_slice %arg6[%dma_start3A_3, %dma_start3A_4, %dma_start3A_5] : memref<5x128x128xf32, #tpu.memory_space<vmem>> -> memref<1x128x128xf32, #tpu.memory_space<vmem>>
    %dma_start3A_7 = tpu.memref_squeeze %dma_start3A_6 : memref<1x128x128xf32, #tpu.memory_space<vmem>> -> memref<128x128xf32, #tpu.memory_space<vmem>>
    %dma_start3A_8 = arith.constant 0 : i32
    %dma_start3A_9 = tpu.memref_slice %arg5[%dma_start3A, %dma_start3A_8] : memref<200x128xi32, #tpu.memory_space<vmem>> -> memref<1x128xi32, #tpu.memory_space<vmem>>
    %dma_start3A_10 = tpu.memref_squeeze %dma_start3A_9 : memref<1x128xi32, #tpu.memory_space<vmem>> -> memref<128xi32, #tpu.memory_space<vmem>>
    %dma_start3A_11 = arith.constant 0 : i32
    %dma_start3A_12 = arith.constant 0 : i32
    %dma_start3A_13 = tpu.memref_slice %arg3[%dma_start3A_11, %dma_start3A_12] : memref<100000x128xf32, #tpu.memory_space<hbm>> -> memref<100000x128xf32, #tpu.memory_space<hbm>>
    tpu.enqueue_indirect_dma source(%dma_start3A_13 : memref<100000x128xf32, #tpu.memory_space<hbm>>) target(%dma_start3A_7 : memref<128x128xf32, #tpu.memory_space<vmem>>) offsets(%dma_start3A_10 : memref<128xi32, #tpu.memory_space<vmem>>) semaphore(%arg7 : memref<!tpu.dma_semaphore, #tpu.memory_space<semaphore_mem>>)
    %dma_start3A_14 = arith.constant 1 : i32
    %dma_start3A_15 = arith.constant 1 : i32
    %dma_start3A_16 = arith.constant 0 : i32
    %dma_start3A_17 = arith.constant 0 : i32
    %dma_start3A_18 = tpu.memref_slice %arg6[%dma_start3A_15, %dma_start3A_16, %dma_start3A_17] : memref<5x128x128xf32, #tpu.memory_space<vmem>> -> memref<1x128x128xf32, #tpu.memory_space<vmem>>
    %dma_start3A_19 = tpu.memref_squeeze %dma_start3A_18 : memref<1x128x128xf32, #tpu.memory_space<vmem>> -> memref<128x128xf32, #tpu.memory_space<vmem>>
    %dma_start3A_20 = arith.constant 0 : i32
    %dma_start3A_21 = tpu.memref_slice %arg5[%dma_start3A_14, %dma_start3A_20] : memref<200x128xi32, #tpu.memory_space<vmem>> -> memref<1x128xi32, #tpu.memory_space<vmem>>
    %dma_start3A_22 = tpu.memref_squeeze %dma_start3A_21 : memref<1x128xi32, #tpu.memory_space<vmem>> -> memref<128xi32, #tpu.memory_space<vmem>>
    %dma_start3A_23 = arith.constant 0 : i32
    %dma_start3A_24 = arith.constant 0 : i32
    %dma_start3A_25 = tpu.memref_slice %arg3[%dma_start3A_23, %dma_start3A_24] : memref<100000x128xf32, #tpu.memory_space<hbm>> -> memref<100000x128xf32, #tpu.memory_space<hbm>>
    tpu.enqueue_indirect_dma source(%dma_start3A_25 : memref<100000x128xf32, #tpu.memory_space<hbm>>) target(%dma_start3A_19 : memref<128x128xf32, #tpu.memory_space<vmem>>) offsets(%dma_start3A_22 : memref<128xi32, #tpu.memory_space<vmem>>) semaphore(%arg8 : memref<!tpu.dma_semaphore, #tpu.memory_space<semaphore_mem>>)
    %scan3A = arith.constant 0 : i32
    %scan3A_26 = arith.constant 40 : i32
    %scan3A_27 = arith.addi %scan3A, %scan3A_26 : i32
    %scan3A_28 = arith.constant 1 : i32
    scf.for %scan3A_104 = %scan3A to %scan3A_27 step %scan3A_28  : i32 {
      %mul3A_105 = arith.constant 5 : i32
      %mul3A_106 = arith.muli %scan3A_104, %mul3A_105 : i32
      %add3A_107 = arith.constant 0 : i32
      %add3A_108 = arith.addi %add3A_107, %mul3A_106 : i32
      %add3A_109 = arith.constant 0 : i32
      %add3A_110 = arith.addi %add3A_108, %add3A_109 : i32
      %mul3A_111 = arith.constant 128 : i32
      %mul3A_112 = arith.muli %add3A_110, %mul3A_111 : i32
      %add3A_113 = arith.addi %mul3A_2, %mul3A_112 : i32
      %dma_wait3A_114 = arith.constant 0 : i32
      %dma_wait3A_115 = arith.constant 0 : i32
      %dma_wait3A_116 = arith.constant 0 : i32
      %dma_wait3A_117 = tpu.memref_slice %arg6[%dma_wait3A_114, %dma_wait3A_115, %dma_wait3A_116] : memref<5x128x128xf32, #tpu.memory_space<vmem>> -> memref<1x128x128xf32, #tpu.memory_space<vmem>>
      %dma_wait3A_118 = tpu.memref_squeeze %dma_wait3A_117 : memref<1x128x128xf32, #tpu.memory_space<vmem>> -> memref<128x128xf32, #tpu.memory_space<vmem>>
      %dma_wait3A_119 = arith.constant 0 : i32
      %dma_wait3A_120 = tpu.memref_slice %arg5[%add3A_110, %dma_wait3A_119] : memref<200x128xi32, #tpu.memory_space<vmem>> -> memref<1x128xi32, #tpu.memory_space<vmem>>
      %dma_wait3A_121 = tpu.memref_squeeze %dma_wait3A_120 : memref<1x128xi32, #tpu.memory_space<vmem>> -> memref<128xi32, #tpu.memory_space<vmem>>
      %dma_wait3A_122 = arith.constant 0 : i32
      %dma_wait3A_123 = arith.constant 0 : i32
      %dma_wait3A_124 = tpu.memref_slice %arg3[%dma_wait3A_122, %dma_wait3A_123] : memref<100000x128xf32, #tpu.memory_space<hbm>> -> memref<100000x128xf32, #tpu.memory_space<hbm>>
      tpu.wait_indirect_dma semaphore(%arg7 : memref<!tpu.dma_semaphore, #tpu.memory_space<semaphore_mem>>) src(%dma_wait3A_124 : memref<100000x128xf32, #tpu.memory_space<hbm>>) dst(%dma_wait3A_118 : memref<128x128xf32, #tpu.memory_space<vmem>>)
      %dma_start3A_125 = arith.constant 0 : i32
      %dma_start3A_126 = arith.constant 0 : i32
      %dma_start3A_127 = arith.constant 0 : i32
      %dma_start3A_128 = tpu.memref_slice %arg6[%dma_start3A_125, %dma_start3A_126, %dma_start3A_127] : memref<5x128x128xf32, #tpu.memory_space<vmem>> -> memref<1x128x128xf32, #tpu.memory_space<vmem>>
      %dma_start3A_129 = tpu.memref_squeeze %dma_start3A_128 : memref<1x128x128xf32, #tpu.memory_space<vmem>> -> memref<128x128xf32, #tpu.memory_space<vmem>>
      %dma_start3A_130 = arith.constant 0 : i32
      %dma_start3A_131 = tpu.memref_slice %arg4[%add3A_113, %dma_start3A_130] : memref<819200x128xf32, #tpu.memory_space<hbm>> -> memref<128x128xf32, #tpu.memory_space<hbm>>
      %dma_start3A_132 = arith.constant 0 : i32
      %dma_start3A_133 = tpu.memref_slice %arg4[%add3A_113, %dma_start3A_132] : memref<819200x128xf32, #tpu.memory_space<hbm>> -> memref<128x128xf32, #tpu.memory_space<hbm>>
      %dma_start3A_134 = arith.constant 0 : i32
      %dma_start3A_135 = arith.constant 0 : i32
      %dma_start3A_136 = tpu.memref_slice %arg6[%dma_start3A_125, %dma_start3A_134, %dma_start3A_135] : memref<5x128x128xf32, #tpu.memory_space<vmem>> -> memref<1x128x128xf32, #tpu.memory_space<vmem>>
      %dma_start3A_137 = tpu.memref_squeeze %dma_start3A_136 : memref<1x128x128xf32, #tpu.memory_space<vmem>> -> memref<128x128xf32, #tpu.memory_space<vmem>>
      tpu.enqueue_dma source(%dma_start3A_137 : memref<128x128xf32, #tpu.memory_space<vmem>>) target(%dma_start3A_133 : memref<128x128xf32, #tpu.memory_space<hbm>>) target_semaphore(%arg12 : memref<!tpu.dma_semaphore, #tpu.memory_space<semaphore_mem>>)
      %add3A_138 = arith.constant 2 : i32
      %add3A_139 = arith.addi %add3A_110, %add3A_138 : i32
      %lt3A = arith.constant 200 : i32
      %lt3A_140 = arith.cmpi slt, %add3A_139, %lt3A : i32
      %ge3A = arith.constant 5 : i32
      %ge3A_141 = arith.cmpi sge, %add3A_139, %ge3A : i32
      %and3A = arith.andi %lt3A_140, %ge3A_141 : i1
      %convert_element_type3A = arith.extui %and3A : i1 to i32
      %cond3A = arith.constant 0 : i32
      %cond3A_142 = arith.cmpi ne, %convert_element_type3A, %cond3A : i32
      scf.if %cond3A_142 {
        %sub3A = arith.constant 5 : i32
        %sub3A_324 = arith.subi %add3A_139, %sub3A : i32
        %mul3A_325 = arith.constant 128 : i32
        %mul3A_326 = arith.muli %sub3A_324, %mul3A_325 : i32
        %add3A_327 = arith.addi %mul3A_2, %mul3A_326 : i32
        %dma_wait3A_328 = arith.constant 2 : i32
        %dma_wait3A_329 = arith.constant 0 : i32
        %dma_wait3A_330 = arith.constant 0 : i32
        %dma_wait3A_331 = tpu.memref_slice %arg6[%dma_wait3A_328, %dma_wait3A_329, %dma_wait3A_330] : memref<5x128x128xf32, #tpu.memory_space<vmem>> -> memref<1x128x128xf32, #tpu.memory_space<vmem>>
        %dma_wait3A_332 = tpu.memref_squeeze %dma_wait3A_331 : memref<1x128x128xf32, #tpu.memory_space<vmem>> -> memref<128x128xf32, #tpu.memory_space<vmem>>
        %dma_wait3A_333 = arith.constant 0 : i32
        %dma_wait3A_334 = tpu.memref_slice %arg4[%add3A_327, %dma_wait3A_333] : memref<819200x128xf32, #tpu.memory_space<hbm>> -> memref<128x128xf32, #tpu.memory_space<hbm>>
        %dma_wait3A_335 = arith.constant 0 : i32
        %dma_wait3A_336 = tpu.memref_slice %arg4[%add3A_327, %dma_wait3A_335] : memref<819200x128xf32, #tpu.memory_space<hbm>> -> memref<128x128xf32, #tpu.memory_space<hbm>>
        %dma_wait3A_337 = arith.constant 0 : i32
        %dma_wait3A_338 = arith.constant 0 : i32
        %dma_wait3A_339 = tpu.memref_slice %arg6[%dma_wait3A_328, %dma_wait3A_337, %dma_wait3A_338] : memref<5x128x128xf32, #tpu.memory_space<vmem>> -> memref<1x128x128xf32, #tpu.memory_space<vmem>>
        %dma_wait3A_340 = tpu.memref_squeeze %dma_wait3A_339 : memref<1x128x128xf32, #tpu.memory_space<vmem>> -> memref<128x128xf32, #tpu.memory_space<vmem>>
        tpu.wait_dma2 semaphore(%arg14 : memref<!tpu.dma_semaphore, #tpu.memory_space<semaphore_mem>>) src(%dma_wait3A_340 : memref<128x128xf32, #tpu.memory_space<vmem>>) dst(%dma_wait3A_336 : memref<128x128xf32, #tpu.memory_space<hbm>>)
      } else {
      }
      %lt3A_143 = arith.constant 200 : i32
      %lt3A_144 = arith.cmpi slt, %add3A_139, %lt3A_143 : i32
      %convert_element_type3A_145 = arith.extui %lt3A_144 : i1 to i32
      %cond3A_146 = arith.constant 0 : i32
      %cond3A_147 = arith.cmpi ne, %convert_element_type3A_145, %cond3A_146 : i32
      scf.if %cond3A_147 {
        %dma_start3A_324 = arith.constant 2 : i32
        %dma_start3A_325 = arith.constant 0 : i32
        %dma_start3A_326 = arith.constant 0 : i32
        %dma_start3A_327 = tpu.memref_slice %arg6[%dma_start3A_324, %dma_start3A_325, %dma_start3A_326] : memref<5x128x128xf32, #tpu.memory_space<vmem>> -> memref<1x128x128xf32, #tpu.memory_space<vmem>>
        %dma_start3A_328 = tpu.memref_squeeze %dma_start3A_327 : memref<1x128x128xf32, #tpu.memory_space<vmem>> -> memref<128x128xf32, #tpu.memory_space<vmem>>
        %dma_start3A_329 = arith.constant 0 : i32
        %dma_start3A_330 = tpu.memref_slice %arg5[%add3A_139, %dma_start3A_329] : memref<200x128xi32, #tpu.memory_space<vmem>> -> memref<1x128xi32, #tpu.memory_space<vmem>>
        %dma_start3A_331 = tpu.memref_squeeze %dma_start3A_330 : memref<1x128xi32, #tpu.memory_space<vmem>> -> memref<128xi32, #tpu.memory_space<vmem>>
        %dma_start3A_332 = arith.constant 0 : i32
        %dma_start3A_333 = arith.constant 0 : i32
        %dma_start3A_334 = tpu.memref_slice %arg3[%dma_start3A_332, %dma_start3A_333] : memref<100000x128xf32, #tpu.memory_space<hbm>> -> memref<100000x128xf32, #tpu.memory_space<hbm>>
        tpu.enqueue_indirect_dma source(%dma_start3A_334 : memref<100000x128xf32, #tpu.memory_space<hbm>>) target(%dma_start3A_328 : memref<128x128xf32, #tpu.memory_space<vmem>>) offsets(%dma_start3A_331 : memref<128xi32, #tpu.memory_space<vmem>>) semaphore(%arg9 : memref<!tpu.dma_semaphore, #tpu.memory_space<semaphore_mem>>)
      } else {
      }
      %add3A_148 = arith.constant 1 : i32
      %add3A_149 = arith.addi %add3A_108, %add3A_148 : i32
      %mul3A_150 = arith.constant 128 : i32
      %mul3A_151 = arith.muli %add3A_149, %mul3A_150 : i32
      %add3A_152 = arith.addi %mul3A_2, %mul3A_151 : i32
      %dma_wait3A_153 = arith.constant 1 : i32
      %dma_wait3A_154 = arith.constant 0 : i32
      %dma_wait3A_155 = arith.constant 0 : i32
      %dma_wait3A_156 = tpu.memref_slice %arg6[%dma_wait3A_153, %dma_wait3A_154, %dma_wait3A_155] : memref<5x128x128xf32, #tpu.memory_space<vmem>> -> memref<1x128x128xf32, #tpu.memory_space<vmem>>
      %dma_wait3A_157 = tpu.memref_squeeze %dma_wait3A_156 : memref<1x128x128xf32, #tpu.memory_space<vmem>> -> memref<128x128xf32, #tpu.memory_space<vmem>>
      %dma_wait3A_158 = arith.constant 0 : i32
      %dma_wait3A_159 = tpu.memref_slice %arg5[%add3A_149, %dma_wait3A_158] : memref<200x128xi32, #tpu.memory_space<vmem>> -> memref<1x128xi32, #tpu.memory_space<vmem>>
      %dma_wait3A_160 = tpu.memref_squeeze %dma_wait3A_159 : memref<1x128xi32, #tpu.memory_space<vmem>> -> memref<128xi32, #tpu.memory_space<vmem>>
      %dma_wait3A_161 = arith.constant 0 : i32
      %dma_wait3A_162 = arith.constant 0 : i32
      %dma_wait3A_163 = tpu.memref_slice %arg3[%dma_wait3A_161, %dma_wait3A_162] : memref<100000x128xf32, #tpu.memory_space<hbm>> -> memref<100000x128xf32, #tpu.memory_space<hbm>>
      tpu.wait_indirect_dma semaphore(%arg8 : memref<!tpu.dma_semaphore, #tpu.memory_space<semaphore_mem>>) src(%dma_wait3A_163 : memref<100000x128xf32, #tpu.memory_space<hbm>>) dst(%dma_wait3A_157 : memref<128x128xf32, #tpu.memory_space<vmem>>)
      %dma_start3A_164 = arith.constant 1 : i32
      %dma_start3A_165 = arith.constant 0 : i32
      %dma_start3A_166 = arith.constant 0 : i32
      %dma_start3A_167 = tpu.memref_slice %arg6[%dma_start3A_164, %dma_start3A_165, %dma_start3A_166] : memref<5x128x128xf32, #tpu.memory_space<vmem>> -> memref<1x128x128xf32, #tpu.memory_space<vmem>>
      %dma_start3A_168 = tpu.memref_squeeze %dma_start3A_167 : memref<1x128x128xf32, #tpu.memory_space<vmem>> -> memref<128x128xf32, #tpu.memory_space<vmem>>
      %dma_start3A_169 = arith.constant 0 : i32
      %dma_start3A_170 = tpu.memref_slice %arg4[%add3A_152, %dma_start3A_169] : memref<819200x128xf32, #tpu.memory_space<hbm>> -> memref<128x128xf32, #tpu.memory_space<hbm>>
      %dma_start3A_171 = arith.constant 0 : i32
      %dma_start3A_172 = tpu.memref_slice %arg4[%add3A_152, %dma_start3A_171] : memref<819200x128xf32, #tpu.memory_space<hbm>> -> memref<128x128xf32, #tpu.memory_space<hbm>>
      %dma_start3A_173 = arith.constant 0 : i32
      %dma_start3A_174 = arith.constant 0 : i32
      %dma_start3A_175 = tpu.memref_slice %arg6[%dma_start3A_164, %dma_start3A_173, %dma_start3A_174] : memref<5x128x128xf32, #tpu.memory_space<vmem>> -> memref<1x128x128xf32, #tpu.memory_space<vmem>>
      %dma_start3A_176 = tpu.memref_squeeze %dma_start3A_175 : memref<1x128x128xf32, #tpu.memory_space<vmem>> -> memref<128x128xf32, #tpu.memory_space<vmem>>
      tpu.enqueue_dma source(%dma_start3A_176 : memref<128x128xf32, #tpu.memory_space<vmem>>) target(%dma_start3A_172 : memref<128x128xf32, #tpu.memory_space<hbm>>) target_semaphore(%arg13 : memref<!tpu.dma_semaphore, #tpu.memory_space<semaphore_mem>>)
      %add3A_177 = arith.constant 2 : i32
      %add3A_178 = arith.addi %add3A_149, %add3A_177 : i32
      %lt3A_179 = arith.constant 200 : i32
      %lt3A_180 = arith.cmpi slt, %add3A_178, %lt3A_179 : i32
      %ge3A_181 = arith.constant 5 : i32
      %ge3A_182 = arith.cmpi sge, %add3A_178, %ge3A_181 : i32
      %and3A_183 = arith.andi %lt3A_180, %ge3A_182 : i1
      %convert_element_type3A_184 = arith.extui %and3A_183 : i1 to i32
      %cond3A_185 = arith.constant 0 : i32
      %cond3A_186 = arith.cmpi ne, %convert_element_type3A_184, %cond3A_185 : i32
      scf.if %cond3A_186 {
        %sub3A = arith.constant 5 : i32
        %sub3A_324 = arith.subi %add3A_178, %sub3A : i32
        %mul3A_325 = arith.constant 128 : i32
        %mul3A_326 = arith.muli %sub3A_324, %mul3A_325 : i32
        %add3A_327 = arith.addi %mul3A_2, %mul3A_326 : i32
        %dma_wait3A_328 = arith.constant 3 : i32
        %dma_wait3A_329 = arith.constant 0 : i32
        %dma_wait3A_330 = arith.constant 0 : i32
        %dma_wait3A_331 = tpu.memref_slice %arg6[%dma_wait3A_328, %dma_wait3A_329, %dma_wait3A_330] : memref<5x128x128xf32, #tpu.memory_space<vmem>> -> memref<1x128x128xf32, #tpu.memory_space<vmem>>
        %dma_wait3A_332 = tpu.memref_squeeze %dma_wait3A_331 : memref<1x128x128xf32, #tpu.memory_space<vmem>> -> memref<128x128xf32, #tpu.memory_space<vmem>>
        %dma_wait3A_333 = arith.constant 0 : i32
        %dma_wait3A_334 = tpu.memref_slice %arg4[%add3A_327, %dma_wait3A_333] : memref<819200x128xf32, #tpu.memory_space<hbm>> -> memref<128x128xf32, #tpu.memory_space<hbm>>
        %dma_wait3A_335 = arith.constant 0 : i32
        %dma_wait3A_336 = tpu.memref_slice %arg4[%add3A_327, %dma_wait3A_335] : memref<819200x128xf32, #tpu.memory_space<hbm>> -> memref<128x128xf32, #tpu.memory_space<hbm>>
        %dma_wait3A_337 = arith.constant 0 : i32
        %dma_wait3A_338 = arith.constant 0 : i32
        %dma_wait3A_339 = tpu.memref_slice %arg6[%dma_wait3A_328, %dma_wait3A_337, %dma_wait3A_338] : memref<5x128x128xf32, #tpu.memory_space<vmem>> -> memref<1x128x128xf32, #tpu.memory_space<vmem>>
        %dma_wait3A_340 = tpu.memref_squeeze %dma_wait3A_339 : memref<1x128x128xf32, #tpu.memory_space<vmem>> -> memref<128x128xf32, #tpu.memory_space<vmem>>
        tpu.wait_dma2 semaphore(%arg15 : memref<!tpu.dma_semaphore, #tpu.memory_space<semaphore_mem>>) src(%dma_wait3A_340 : memref<128x128xf32, #tpu.memory_space<vmem>>) dst(%dma_wait3A_336 : memref<128x128xf32, #tpu.memory_space<hbm>>)
      } else {
      }
      %lt3A_187 = arith.constant 200 : i32
      %lt3A_188 = arith.cmpi slt, %add3A_178, %lt3A_187 : i32
      %convert_element_type3A_189 = arith.extui %lt3A_188 : i1 to i32
      %cond3A_190 = arith.constant 0 : i32
      %cond3A_191 = arith.cmpi ne, %convert_element_type3A_189, %cond3A_190 : i32
      scf.if %cond3A_191 {
        %dma_start3A_324 = arith.constant 3 : i32
        %dma_start3A_325 = arith.constant 0 : i32
        %dma_start3A_326 = arith.constant 0 : i32
        %dma_start3A_327 = tpu.memref_slice %arg6[%dma_start3A_324, %dma_start3A_325, %dma_start3A_326] : memref<5x128x128xf32, #tpu.memory_space<vmem>> -> memref<1x128x128xf32, #tpu.memory_space<vmem>>
        %dma_start3A_328 = tpu.memref_squeeze %dma_start3A_327 : memref<1x128x128xf32, #tpu.memory_space<vmem>> -> memref<128x128xf32, #tpu.memory_space<vmem>>
        %dma_start3A_329 = arith.constant 0 : i32
        %dma_start3A_330 = tpu.memref_slice %arg5[%add3A_178, %dma_start3A_329] : memref<200x128xi32, #tpu.memory_space<vmem>> -> memref<1x128xi32, #tpu.memory_space<vmem>>
        %dma_start3A_331 = tpu.memref_squeeze %dma_start3A_330 : memref<1x128xi32, #tpu.memory_space<vmem>> -> memref<128xi32, #tpu.memory_space<vmem>>
        %dma_start3A_332 = arith.constant 0 : i32
        %dma_start3A_333 = arith.constant 0 : i32
        %dma_start3A_334 = tpu.memref_slice %arg3[%dma_start3A_332, %dma_start3A_333] : memref<100000x128xf32, #tpu.memory_space<hbm>> -> memref<100000x128xf32, #tpu.memory_space<hbm>>
        tpu.enqueue_indirect_dma source(%dma_start3A_334 : memref<100000x128xf32, #tpu.memory_space<hbm>>) target(%dma_start3A_328 : memref<128x128xf32, #tpu.memory_space<vmem>>) offsets(%dma_start3A_331 : memref<128xi32, #tpu.memory_space<vmem>>) semaphore(%arg10 : memref<!tpu.dma_semaphore, #tpu.memory_space<semaphore_mem>>)
      } else {
      }
      %add3A_192 = arith.constant 2 : i32
      %add3A_193 = arith.addi %add3A_108, %add3A_192 : i32
      %mul3A_194 = arith.constant 128 : i32
      %mul3A_195 = arith.muli %add3A_193, %mul3A_194 : i32
      %add3A_196 = arith.addi %mul3A_2, %mul3A_195 : i32
      %dma_wait3A_197 = arith.constant 2 : i32
      %dma_wait3A_198 = arith.constant 0 : i32
      %dma_wait3A_199 = arith.constant 0 : i32
      %dma_wait3A_200 = tpu.memref_slice %arg6[%dma_wait3A_197, %dma_wait3A_198, %dma_wait3A_199] : memref<5x128x128xf32, #tpu.memory_space<vmem>> -> memref<1x128x128xf32, #tpu.memory_space<vmem>>
      %dma_wait3A_201 = tpu.memref_squeeze %dma_wait3A_200 : memref<1x128x128xf32, #tpu.memory_space<vmem>> -> memref<128x128xf32, #tpu.memory_space<vmem>>
      %dma_wait3A_202 = arith.constant 0 : i32
      %dma_wait3A_203 = tpu.memref_slice %arg5[%add3A_193, %dma_wait3A_202] : memref<200x128xi32, #tpu.memory_space<vmem>> -> memref<1x128xi32, #tpu.memory_space<vmem>>
      %dma_wait3A_204 = tpu.memref_squeeze %dma_wait3A_203 : memref<1x128xi32, #tpu.memory_space<vmem>> -> memref<128xi32, #tpu.memory_space<vmem>>
      %dma_wait3A_205 = arith.constant 0 : i32
      %dma_wait3A_206 = arith.constant 0 : i32
      %dma_wait3A_207 = tpu.memref_slice %arg3[%dma_wait3A_205, %dma_wait3A_206] : memref<100000x128xf32, #tpu.memory_space<hbm>> -> memref<100000x128xf32, #tpu.memory_space<hbm>>
      tpu.wait_indirect_dma semaphore(%arg9 : memref<!tpu.dma_semaphore, #tpu.memory_space<semaphore_mem>>) src(%dma_wait3A_207 : memref<100000x128xf32, #tpu.memory_space<hbm>>) dst(%dma_wait3A_201 : memref<128x128xf32, #tpu.memory_space<vmem>>)
      %dma_start3A_208 = arith.constant 2 : i32
      %dma_start3A_209 = arith.constant 0 : i32
      %dma_start3A_210 = arith.constant 0 : i32
      %dma_start3A_211 = tpu.memref_slice %arg6[%dma_start3A_208, %dma_start3A_209, %dma_start3A_210] : memref<5x128x128xf32, #tpu.memory_space<vmem>> -> memref<1x128x128xf32, #tpu.memory_space<vmem>>
      %dma_start3A_212 = tpu.memref_squeeze %dma_start3A_211 : memref<1x128x128xf32, #tpu.memory_space<vmem>> -> memref<128x128xf32, #tpu.memory_space<vmem>>
      %dma_start3A_213 = arith.constant 0 : i32
      %dma_start3A_214 = tpu.memref_slice %arg4[%add3A_196, %dma_start3A_213] : memref<819200x128xf32, #tpu.memory_space<hbm>> -> memref<128x128xf32, #tpu.memory_space<hbm>>
      %dma_start3A_215 = arith.constant 0 : i32
      %dma_start3A_216 = tpu.memref_slice %arg4[%add3A_196, %dma_start3A_215] : memref<819200x128xf32, #tpu.memory_space<hbm>> -> memref<128x128xf32, #tpu.memory_space<hbm>>
      %dma_start3A_217 = arith.constant 0 : i32
      %dma_start3A_218 = arith.constant 0 : i32
      %dma_start3A_219 = tpu.memref_slice %arg6[%dma_start3A_208, %dma_start3A_217, %dma_start3A_218] : memref<5x128x128xf32, #tpu.memory_space<vmem>> -> memref<1x128x128xf32, #tpu.memory_space<vmem>>
      %dma_start3A_220 = tpu.memref_squeeze %dma_start3A_219 : memref<1x128x128xf32, #tpu.memory_space<vmem>> -> memref<128x128xf32, #tpu.memory_space<vmem>>
      tpu.enqueue_dma source(%dma_start3A_220 : memref<128x128xf32, #tpu.memory_space<vmem>>) target(%dma_start3A_216 : memref<128x128xf32, #tpu.memory_space<hbm>>) target_semaphore(%arg14 : memref<!tpu.dma_semaphore, #tpu.memory_space<semaphore_mem>>)
      %add3A_221 = arith.constant 2 : i32
      %add3A_222 = arith.addi %add3A_193, %add3A_221 : i32
      %lt3A_223 = arith.constant 200 : i32
      %lt3A_224 = arith.cmpi slt, %add3A_222, %lt3A_223 : i32
      %ge3A_225 = arith.constant 5 : i32
      %ge3A_226 = arith.cmpi sge, %add3A_222, %ge3A_225 : i32
      %and3A_227 = arith.andi %lt3A_224, %ge3A_226 : i1
      %convert_element_type3A_228 = arith.extui %and3A_227 : i1 to i32
      %cond3A_229 = arith.constant 0 : i32
      %cond3A_230 = arith.cmpi ne, %convert_element_type3A_228, %cond3A_229 : i32
      scf.if %cond3A_230 {
        %sub3A = arith.constant 5 : i32
        %sub3A_324 = arith.subi %add3A_222, %sub3A : i32
        %mul3A_325 = arith.constant 128 : i32
        %mul3A_326 = arith.muli %sub3A_324, %mul3A_325 : i32
        %add3A_327 = arith.addi %mul3A_2, %mul3A_326 : i32
        %dma_wait3A_328 = arith.constant 4 : i32
        %dma_wait3A_329 = arith.constant 0 : i32
        %dma_wait3A_330 = arith.constant 0 : i32
        %dma_wait3A_331 = tpu.memref_slice %arg6[%dma_wait3A_328, %dma_wait3A_329, %dma_wait3A_330] : memref<5x128x128xf32, #tpu.memory_space<vmem>> -> memref<1x128x128xf32, #tpu.memory_space<vmem>>
        %dma_wait3A_332 = tpu.memref_squeeze %dma_wait3A_331 : memref<1x128x128xf32, #tpu.memory_space<vmem>> -> memref<128x128xf32, #tpu.memory_space<vmem>>
        %dma_wait3A_333 = arith.constant 0 : i32
        %dma_wait3A_334 = tpu.memref_slice %arg4[%add3A_327, %dma_wait3A_333] : memref<819200x128xf32, #tpu.memory_space<hbm>> -> memref<128x128xf32, #tpu.memory_space<hbm>>
        %dma_wait3A_335 = arith.constant 0 : i32
        %dma_wait3A_336 = tpu.memref_slice %arg4[%add3A_327, %dma_wait3A_335] : memref<819200x128xf32, #tpu.memory_space<hbm>> -> memref<128x128xf32, #tpu.memory_space<hbm>>
        %dma_wait3A_337 = arith.constant 0 : i32
        %dma_wait3A_338 = arith.constant 0 : i32
        %dma_wait3A_339 = tpu.memref_slice %arg6[%dma_wait3A_328, %dma_wait3A_337, %dma_wait3A_338] : memref<5x128x128xf32, #tpu.memory_space<vmem>> -> memref<1x128x128xf32, #tpu.memory_space<vmem>>
        %dma_wait3A_340 = tpu.memref_squeeze %dma_wait3A_339 : memref<1x128x128xf32, #tpu.memory_space<vmem>> -> memref<128x128xf32, #tpu.memory_space<vmem>>
        tpu.wait_dma2 semaphore(%arg16 : memref<!tpu.dma_semaphore, #tpu.memory_space<semaphore_mem>>) src(%dma_wait3A_340 : memref<128x128xf32, #tpu.memory_space<vmem>>) dst(%dma_wait3A_336 : memref<128x128xf32, #tpu.memory_space<hbm>>)
      } else {
      }
      %lt3A_231 = arith.constant 200 : i32
      %lt3A_232 = arith.cmpi slt, %add3A_222, %lt3A_231 : i32
      %convert_element_type3A_233 = arith.extui %lt3A_232 : i1 to i32
      %cond3A_234 = arith.constant 0 : i32
      %cond3A_235 = arith.cmpi ne, %convert_element_type3A_233, %cond3A_234 : i32
      scf.if %cond3A_235 {
        %dma_start3A_324 = arith.constant 4 : i32
        %dma_start3A_325 = arith.constant 0 : i32
        %dma_start3A_326 = arith.constant 0 : i32
        %dma_start3A_327 = tpu.memref_slice %arg6[%dma_start3A_324, %dma_start3A_325, %dma_start3A_326] : memref<5x128x128xf32, #tpu.memory_space<vmem>> -> memref<1x128x128xf32, #tpu.memory_space<vmem>>
        %dma_start3A_328 = tpu.memref_squeeze %dma_start3A_327 : memref<1x128x128xf32, #tpu.memory_space<vmem>> -> memref<128x128xf32, #tpu.memory_space<vmem>>
        %dma_start3A_329 = arith.constant 0 : i32
        %dma_start3A_330 = tpu.memref_slice %arg5[%add3A_222, %dma_start3A_329] : memref<200x128xi32, #tpu.memory_space<vmem>> -> memref<1x128xi32, #tpu.memory_space<vmem>>
        %dma_start3A_331 = tpu.memref_squeeze %dma_start3A_330 : memref<1x128xi32, #tpu.memory_space<vmem>> -> memref<128xi32, #tpu.memory_space<vmem>>
        %dma_start3A_332 = arith.constant 0 : i32
        %dma_start3A_333 = arith.constant 0 : i32
        %dma_start3A_334 = tpu.memref_slice %arg3[%dma_start3A_332, %dma_start3A_333] : memref<100000x128xf32, #tpu.memory_space<hbm>> -> memref<100000x128xf32, #tpu.memory_space<hbm>>
        tpu.enqueue_indirect_dma source(%dma_start3A_334 : memref<100000x128xf32, #tpu.memory_space<hbm>>) target(%dma_start3A_328 : memref<128x128xf32, #tpu.memory_space<vmem>>) offsets(%dma_start3A_331 : memref<128xi32, #tpu.memory_space<vmem>>) semaphore(%arg11 : memref<!tpu.dma_semaphore, #tpu.memory_space<semaphore_mem>>)
      } else {
      }
      %add3A_236 = arith.constant 3 : i32
      %add3A_237 = arith.addi %add3A_108, %add3A_236 : i32
      %mul3A_238 = arith.constant 128 : i32
      %mul3A_239 = arith.muli %add3A_237, %mul3A_238 : i32
      %add3A_240 = arith.addi %mul3A_2, %mul3A_239 : i32
      %dma_wait3A_241 = arith.constant 3 : i32
      %dma_wait3A_242 = arith.constant 0 : i32
      %dma_wait3A_243 = arith.constant 0 : i32
      %dma_wait3A_244 = tpu.memref_slice %arg6[%dma_wait3A_241, %dma_wait3A_242, %dma_wait3A_243] : memref<5x128x128xf32, #tpu.memory_space<vmem>> -> memref<1x128x128xf32, #tpu.memory_space<vmem>>
      %dma_wait3A_245 = tpu.memref_squeeze %dma_wait3A_244 : memref<1x128x128xf32, #tpu.memory_space<vmem>> -> memref<128x128xf32, #tpu.memory_space<vmem>>
      %dma_wait3A_246 = arith.constant 0 : i32
      %dma_wait3A_247 = tpu.memref_slice %arg5[%add3A_237, %dma_wait3A_246] : memref<200x128xi32, #tpu.memory_space<vmem>> -> memref<1x128xi32, #tpu.memory_space<vmem>>
      %dma_wait3A_248 = tpu.memref_squeeze %dma_wait3A_247 : memref<1x128xi32, #tpu.memory_space<vmem>> -> memref<128xi32, #tpu.memory_space<vmem>>
      %dma_wait3A_249 = arith.constant 0 : i32
      %dma_wait3A_250 = arith.constant 0 : i32
      %dma_wait3A_251 = tpu.memref_slice %arg3[%dma_wait3A_249, %dma_wait3A_250] : memref<100000x128xf32, #tpu.memory_space<hbm>> -> memref<100000x128xf32, #tpu.memory_space<hbm>>
      tpu.wait_indirect_dma semaphore(%arg10 : memref<!tpu.dma_semaphore, #tpu.memory_space<semaphore_mem>>) src(%dma_wait3A_251 : memref<100000x128xf32, #tpu.memory_space<hbm>>) dst(%dma_wait3A_245 : memref<128x128xf32, #tpu.memory_space<vmem>>)
      %dma_start3A_252 = arith.constant 3 : i32
      %dma_start3A_253 = arith.constant 0 : i32
      %dma_start3A_254 = arith.constant 0 : i32
      %dma_start3A_255 = tpu.memref_slice %arg6[%dma_start3A_252, %dma_start3A_253, %dma_start3A_254] : memref<5x128x128xf32, #tpu.memory_space<vmem>> -> memref<1x128x128xf32, #tpu.memory_space<vmem>>
      %dma_start3A_256 = tpu.memref_squeeze %dma_start3A_255 : memref<1x128x128xf32, #tpu.memory_space<vmem>> -> memref<128x128xf32, #tpu.memory_space<vmem>>
      %dma_start3A_257 = arith.constant 0 : i32
      %dma_start3A_258 = tpu.memref_slice %arg4[%add3A_240, %dma_start3A_257] : memref<819200x128xf32, #tpu.memory_space<hbm>> -> memref<128x128xf32, #tpu.memory_space<hbm>>
      %dma_start3A_259 = arith.constant 0 : i32
      %dma_start3A_260 = tpu.memref_slice %arg4[%add3A_240, %dma_start3A_259] : memref<819200x128xf32, #tpu.memory_space<hbm>> -> memref<128x128xf32, #tpu.memory_space<hbm>>
      %dma_start3A_261 = arith.constant 0 : i32
      %dma_start3A_262 = arith.constant 0 : i32
      %dma_start3A_263 = tpu.memref_slice %arg6[%dma_start3A_252, %dma_start3A_261, %dma_start3A_262] : memref<5x128x128xf32, #tpu.memory_space<vmem>> -> memref<1x128x128xf32, #tpu.memory_space<vmem>>
      %dma_start3A_264 = tpu.memref_squeeze %dma_start3A_263 : memref<1x128x128xf32, #tpu.memory_space<vmem>> -> memref<128x128xf32, #tpu.memory_space<vmem>>
      tpu.enqueue_dma source(%dma_start3A_264 : memref<128x128xf32, #tpu.memory_space<vmem>>) target(%dma_start3A_260 : memref<128x128xf32, #tpu.memory_space<hbm>>) target_semaphore(%arg15 : memref<!tpu.dma_semaphore, #tpu.memory_space<semaphore_mem>>)
      %add3A_265 = arith.constant 2 : i32
      %add3A_266 = arith.addi %add3A_237, %add3A_265 : i32
      %lt3A_267 = arith.constant 200 : i32
      %lt3A_268 = arith.cmpi slt, %add3A_266, %lt3A_267 : i32
      %ge3A_269 = arith.constant 5 : i32
      %ge3A_270 = arith.cmpi sge, %add3A_266, %ge3A_269 : i32
      %and3A_271 = arith.andi %lt3A_268, %ge3A_270 : i1
      %convert_element_type3A_272 = arith.extui %and3A_271 : i1 to i32
      %cond3A_273 = arith.constant 0 : i32
      %cond3A_274 = arith.cmpi ne, %convert_element_type3A_272, %cond3A_273 : i32
      scf.if %cond3A_274 {
        %sub3A = arith.constant 5 : i32
        %sub3A_324 = arith.subi %add3A_266, %sub3A : i32
        %mul3A_325 = arith.constant 128 : i32
        %mul3A_326 = arith.muli %sub3A_324, %mul3A_325 : i32
        %add3A_327 = arith.addi %mul3A_2, %mul3A_326 : i32
        %dma_wait3A_328 = arith.constant 0 : i32
        %dma_wait3A_329 = arith.constant 0 : i32
        %dma_wait3A_330 = arith.constant 0 : i32
        %dma_wait3A_331 = tpu.memref_slice %arg6[%dma_wait3A_328, %dma_wait3A_329, %dma_wait3A_330] : memref<5x128x128xf32, #tpu.memory_space<vmem>> -> memref<1x128x128xf32, #tpu.memory_space<vmem>>
        %dma_wait3A_332 = tpu.memref_squeeze %dma_wait3A_331 : memref<1x128x128xf32, #tpu.memory_space<vmem>> -> memref<128x128xf32, #tpu.memory_space<vmem>>
        %dma_wait3A_333 = arith.constant 0 : i32
        %dma_wait3A_334 = tpu.memref_slice %arg4[%add3A_327, %dma_wait3A_333] : memref<819200x128xf32, #tpu.memory_space<hbm>> -> memref<128x128xf32, #tpu.memory_space<hbm>>
        %dma_wait3A_335 = arith.constant 0 : i32
        %dma_wait3A_336 = tpu.memref_slice %arg4[%add3A_327, %dma_wait3A_335] : memref<819200x128xf32, #tpu.memory_space<hbm>> -> memref<128x128xf32, #tpu.memory_space<hbm>>
        %dma_wait3A_337 = arith.constant 0 : i32
        %dma_wait3A_338 = arith.constant 0 : i32
        %dma_wait3A_339 = tpu.memref_slice %arg6[%dma_wait3A_328, %dma_wait3A_337, %dma_wait3A_338] : memref<5x128x128xf32, #tpu.memory_space<vmem>> -> memref<1x128x128xf32, #tpu.memory_space<vmem>>
        %dma_wait3A_340 = tpu.memref_squeeze %dma_wait3A_339 : memref<1x128x128xf32, #tpu.memory_space<vmem>> -> memref<128x128xf32, #tpu.memory_space<vmem>>
        tpu.wait_dma2 semaphore(%arg12 : memref<!tpu.dma_semaphore, #tpu.memory_space<semaphore_mem>>) src(%dma_wait3A_340 : memref<128x128xf32, #tpu.memory_space<vmem>>) dst(%dma_wait3A_336 : memref<128x128xf32, #tpu.memory_space<hbm>>)
      } else {
      }
      %lt3A_275 = arith.constant 200 : i32
      %lt3A_276 = arith.cmpi slt, %add3A_266, %lt3A_275 : i32
      %convert_element_type3A_277 = arith.extui %lt3A_276 : i1 to i32
      %cond3A_278 = arith.constant 0 : i32
      %cond3A_279 = arith.cmpi ne, %convert_element_type3A_277, %cond3A_278 : i32
      scf.if %cond3A_279 {
        %dma_start3A_324 = arith.constant 0 : i32
        %dma_start3A_325 = arith.constant 0 : i32
        %dma_start3A_326 = arith.constant 0 : i32
        %dma_start3A_327 = tpu.memref_slice %arg6[%dma_start3A_324, %dma_start3A_325, %dma_start3A_326] : memref<5x128x128xf32, #tpu.memory_space<vmem>> -> memref<1x128x128xf32, #tpu.memory_space<vmem>>
        %dma_start3A_328 = tpu.memref_squeeze %dma_start3A_327 : memref<1x128x128xf32, #tpu.memory_space<vmem>> -> memref<128x128xf32, #tpu.memory_space<vmem>>
        %dma_start3A_329 = arith.constant 0 : i32
        %dma_start3A_330 = tpu.memref_slice %arg5[%add3A_266, %dma_start3A_329] : memref<200x128xi32, #tpu.memory_space<vmem>> -> memref<1x128xi32, #tpu.memory_space<vmem>>
        %dma_start3A_331 = tpu.memref_squeeze %dma_start3A_330 : memref<1x128xi32, #tpu.memory_space<vmem>> -> memref<128xi32, #tpu.memory_space<vmem>>
        %dma_start3A_332 = arith.constant 0 : i32
        %dma_start3A_333 = arith.constant 0 : i32
        %dma_start3A_334 = tpu.memref_slice %arg3[%dma_start3A_332, %dma_start3A_333] : memref<100000x128xf32, #tpu.memory_space<hbm>> -> memref<100000x128xf32, #tpu.memory_space<hbm>>
        tpu.enqueue_indirect_dma source(%dma_start3A_334 : memref<100000x128xf32, #tpu.memory_space<hbm>>) target(%dma_start3A_328 : memref<128x128xf32, #tpu.memory_space<vmem>>) offsets(%dma_start3A_331 : memref<128xi32, #tpu.memory_space<vmem>>) semaphore(%arg7 : memref<!tpu.dma_semaphore, #tpu.memory_space<semaphore_mem>>)
      } else {
      }
      %add3A_280 = arith.constant 4 : i32
      %add3A_281 = arith.addi %add3A_108, %add3A_280 : i32
      %mul3A_282 = arith.constant 128 : i32
      %mul3A_283 = arith.muli %add3A_281, %mul3A_282 : i32
      %add3A_284 = arith.addi %mul3A_2, %mul3A_283 : i32
      %dma_wait3A_285 = arith.constant 4 : i32
      %dma_wait3A_286 = arith.constant 0 : i32
      %dma_wait3A_287 = arith.constant 0 : i32
      %dma_wait3A_288 = tpu.memref_slice %arg6[%dma_wait3A_285, %dma_wait3A_286, %dma_wait3A_287] : memref<5x128x128xf32, #tpu.memory_space<vmem>> -> memref<1x128x128xf32, #tpu.memory_space<vmem>>
      %dma_wait3A_289 = tpu.memref_squeeze %dma_wait3A_288 : memref<1x128x128xf32, #tpu.memory_space<vmem>> -> memref<128x128xf32, #tpu.memory_space<vmem>>
      %dma_wait3A_290 = arith.constant 0 : i32
      %dma_wait3A_291 = tpu.memref_slice %arg5[%add3A_281, %dma_wait3A_290] : memref<200x128xi32, #tpu.memory_space<vmem>> -> memref<1x128xi32, #tpu.memory_space<vmem>>
      %dma_wait3A_292 = tpu.memref_squeeze %dma_wait3A_291 : memref<1x128xi32, #tpu.memory_space<vmem>> -> memref<128xi32, #tpu.memory_space<vmem>>
      %dma_wait3A_293 = arith.constant 0 : i32
      %dma_wait3A_294 = arith.constant 0 : i32
      %dma_wait3A_295 = tpu.memref_slice %arg3[%dma_wait3A_293, %dma_wait3A_294] : memref<100000x128xf32, #tpu.memory_space<hbm>> -> memref<100000x128xf32, #tpu.memory_space<hbm>>
      tpu.wait_indirect_dma semaphore(%arg11 : memref<!tpu.dma_semaphore, #tpu.memory_space<semaphore_mem>>) src(%dma_wait3A_295 : memref<100000x128xf32, #tpu.memory_space<hbm>>) dst(%dma_wait3A_289 : memref<128x128xf32, #tpu.memory_space<vmem>>)
      %dma_start3A_296 = arith.constant 4 : i32
      %dma_start3A_297 = arith.constant 0 : i32
      %dma_start3A_298 = arith.constant 0 : i32
      %dma_start3A_299 = tpu.memref_slice %arg6[%dma_start3A_296, %dma_start3A_297, %dma_start3A_298] : memref<5x128x128xf32, #tpu.memory_space<vmem>> -> memref<1x128x128xf32, #tpu.memory_space<vmem>>
      %dma_start3A_300 = tpu.memref_squeeze %dma_start3A_299 : memref<1x128x128xf32, #tpu.memory_space<vmem>> -> memref<128x128xf32, #tpu.memory_space<vmem>>
      %dma_start3A_301 = arith.constant 0 : i32
      %dma_start3A_302 = tpu.memref_slice %arg4[%add3A_284, %dma_start3A_301] : memref<819200x128xf32, #tpu.memory_space<hbm>> -> memref<128x128xf32, #tpu.memory_space<hbm>>
      %dma_start3A_303 = arith.constant 0 : i32
      %dma_start3A_304 = tpu.memref_slice %arg4[%add3A_284, %dma_start3A_303] : memref<819200x128xf32, #tpu.memory_space<hbm>> -> memref<128x128xf32, #tpu.memory_space<hbm>>
      %dma_start3A_305 = arith.constant 0 : i32
      %dma_start3A_306 = arith.constant 0 : i32
      %dma_start3A_307 = tpu.memref_slice %arg6[%dma_start3A_296, %dma_start3A_305, %dma_start3A_306] : memref<5x128x128xf32, #tpu.memory_space<vmem>> -> memref<1x128x128xf32, #tpu.memory_space<vmem>>
      %dma_start3A_308 = tpu.memref_squeeze %dma_start3A_307 : memref<1x128x128xf32, #tpu.memory_space<vmem>> -> memref<128x128xf32, #tpu.memory_space<vmem>>
      tpu.enqueue_dma source(%dma_start3A_308 : memref<128x128xf32, #tpu.memory_space<vmem>>) target(%dma_start3A_304 : memref<128x128xf32, #tpu.memory_space<hbm>>) target_semaphore(%arg16 : memref<!tpu.dma_semaphore, #tpu.memory_space<semaphore_mem>>)
      %add3A_309 = arith.constant 2 : i32
      %add3A_310 = arith.addi %add3A_281, %add3A_309 : i32
      %lt3A_311 = arith.constant 200 : i32
      %lt3A_312 = arith.cmpi slt, %add3A_310, %lt3A_311 : i32
      %ge3A_313 = arith.constant 5 : i32
      %ge3A_314 = arith.cmpi sge, %add3A_310, %ge3A_313 : i32
      %and3A_315 = arith.andi %lt3A_312, %ge3A_314 : i1
      %convert_element_type3A_316 = arith.extui %and3A_315 : i1 to i32
      %cond3A_317 = arith.constant 0 : i32
      %cond3A_318 = arith.cmpi ne, %convert_element_type3A_316, %cond3A_317 : i32
      scf.if %cond3A_318 {
        %sub3A = arith.constant 5 : i32
        %sub3A_324 = arith.subi %add3A_310, %sub3A : i32
        %mul3A_325 = arith.constant 128 : i32
        %mul3A_326 = arith.muli %sub3A_324, %mul3A_325 : i32
        %add3A_327 = arith.addi %mul3A_2, %mul3A_326 : i32
        %dma_wait3A_328 = arith.constant 1 : i32
        %dma_wait3A_329 = arith.constant 0 : i32
        %dma_wait3A_330 = arith.constant 0 : i32
        %dma_wait3A_331 = tpu.memref_slice %arg6[%dma_wait3A_328, %dma_wait3A_329, %dma_wait3A_330] : memref<5x128x128xf32, #tpu.memory_space<vmem>> -> memref<1x128x128xf32, #tpu.memory_space<vmem>>
        %dma_wait3A_332 = tpu.memref_squeeze %dma_wait3A_331 : memref<1x128x128xf32, #tpu.memory_space<vmem>> -> memref<128x128xf32, #tpu.memory_space<vmem>>
        %dma_wait3A_333 = arith.constant 0 : i32
        %dma_wait3A_334 = tpu.memref_slice %arg4[%add3A_327, %dma_wait3A_333] : memref<819200x128xf32, #tpu.memory_space<hbm>> -> memref<128x128xf32, #tpu.memory_space<hbm>>
        %dma_wait3A_335 = arith.constant 0 : i32
        %dma_wait3A_336 = tpu.memref_slice %arg4[%add3A_327, %dma_wait3A_335] : memref<819200x128xf32, #tpu.memory_space<hbm>> -> memref<128x128xf32, #tpu.memory_space<hbm>>
        %dma_wait3A_337 = arith.constant 0 : i32
        %dma_wait3A_338 = arith.constant 0 : i32
        %dma_wait3A_339 = tpu.memref_slice %arg6[%dma_wait3A_328, %dma_wait3A_337, %dma_wait3A_338] : memref<5x128x128xf32, #tpu.memory_space<vmem>> -> memref<1x128x128xf32, #tpu.memory_space<vmem>>
        %dma_wait3A_340 = tpu.memref_squeeze %dma_wait3A_339 : memref<1x128x128xf32, #tpu.memory_space<vmem>> -> memref<128x128xf32, #tpu.memory_space<vmem>>
        tpu.wait_dma2 semaphore(%arg13 : memref<!tpu.dma_semaphore, #tpu.memory_space<semaphore_mem>>) src(%dma_wait3A_340 : memref<128x128xf32, #tpu.memory_space<vmem>>) dst(%dma_wait3A_336 : memref<128x128xf32, #tpu.memory_space<hbm>>)
      } else {
      }
      %lt3A_319 = arith.constant 200 : i32
      %lt3A_320 = arith.cmpi slt, %add3A_310, %lt3A_319 : i32
      %convert_element_type3A_321 = arith.extui %lt3A_320 : i1 to i32
      %cond3A_322 = arith.constant 0 : i32
      %cond3A_323 = arith.cmpi ne, %convert_element_type3A_321, %cond3A_322 : i32
      scf.if %cond3A_323 {
        %dma_start3A_324 = arith.constant 1 : i32
        %dma_start3A_325 = arith.constant 0 : i32
        %dma_start3A_326 = arith.constant 0 : i32
        %dma_start3A_327 = tpu.memref_slice %arg6[%dma_start3A_324, %dma_start3A_325, %dma_start3A_326] : memref<5x128x128xf32, #tpu.memory_space<vmem>> -> memref<1x128x128xf32, #tpu.memory_space<vmem>>
        %dma_start3A_328 = tpu.memref_squeeze %dma_start3A_327 : memref<1x128x128xf32, #tpu.memory_space<vmem>> -> memref<128x128xf32, #tpu.memory_space<vmem>>
        %dma_start3A_329 = arith.constant 0 : i32
        %dma_start3A_330 = tpu.memref_slice %arg5[%add3A_310, %dma_start3A_329] : memref<200x128xi32, #tpu.memory_space<vmem>> -> memref<1x128xi32, #tpu.memory_space<vmem>>
        %dma_start3A_331 = tpu.memref_squeeze %dma_start3A_330 : memref<1x128xi32, #tpu.memory_space<vmem>> -> memref<128xi32, #tpu.memory_space<vmem>>
        %dma_start3A_332 = arith.constant 0 : i32
        %dma_start3A_333 = arith.constant 0 : i32
        %dma_start3A_334 = tpu.memref_slice %arg3[%dma_start3A_332, %dma_start3A_333] : memref<100000x128xf32, #tpu.memory_space<hbm>> -> memref<100000x128xf32, #tpu.memory_space<hbm>>
        tpu.enqueue_indirect_dma source(%dma_start3A_334 : memref<100000x128xf32, #tpu.memory_space<hbm>>) target(%dma_start3A_328 : memref<128x128xf32, #tpu.memory_space<vmem>>) offsets(%dma_start3A_331 : memref<128xi32, #tpu.memory_space<vmem>>) semaphore(%arg8 : memref<!tpu.dma_semaphore, #tpu.memory_space<semaphore_mem>>)
      } else {
      }
    }
    %scan3A_29 = arith.constant 40 : i32
    %add3A_30 = arith.constant 24960 : i32
    %add3A_31 = arith.addi %mul3A_2, %add3A_30 : i32
    %dma_wait3A = arith.constant 0 : i32
    %dma_wait3A_32 = arith.constant 0 : i32
    %dma_wait3A_33 = arith.constant 0 : i32
    %dma_wait3A_34 = tpu.memref_slice %arg6[%dma_wait3A, %dma_wait3A_32, %dma_wait3A_33] : memref<5x128x128xf32, #tpu.memory_space<vmem>> -> memref<1x128x128xf32, #tpu.memory_space<vmem>>
    %dma_wait3A_35 = tpu.memref_squeeze %dma_wait3A_34 : memref<1x128x128xf32, #tpu.memory_space<vmem>> -> memref<128x128xf32, #tpu.memory_space<vmem>>
    %dma_wait3A_36 = arith.constant 0 : i32
    %dma_wait3A_37 = tpu.memref_slice %arg4[%add3A_31, %dma_wait3A_36] : memref<819200x128xf32, #tpu.memory_space<hbm>> -> memref<128x128xf32, #tpu.memory_space<hbm>>
    %dma_wait3A_38 = arith.constant 0 : i32
    %dma_wait3A_39 = tpu.memref_slice %arg4[%add3A_31, %dma_wait3A_38] : memref<819200x128xf32, #tpu.memory_space<hbm>> -> memref<128x128xf32, #tpu.memory_space<hbm>>
    %dma_wait3A_40 = arith.constant 0 : i32
    %dma_wait3A_41 = arith.constant 0 : i32
    %dma_wait3A_42 = tpu.memref_slice %arg6[%dma_wait3A, %dma_wait3A_40, %dma_wait3A_41] : memref<5x128x128xf32, #tpu.memory_space<vmem>> -> memref<1x128x128xf32, #tpu.memory_space<vmem>>
    %dma_wait3A_43 = tpu.memref_squeeze %dma_wait3A_42 : memref<1x128x128xf32, #tpu.memory_space<vmem>> -> memref<128x128xf32, #tpu.memory_space<vmem>>
    tpu.wait_dma2 semaphore(%arg12 : memref<!tpu.dma_semaphore, #tpu.memory_space<semaphore_mem>>) src(%dma_wait3A_43 : memref<128x128xf32, #tpu.memory_space<vmem>>) dst(%dma_wait3A_39 : memref<128x128xf32, #tpu.memory_space<hbm>>)
    %add3A_44 = arith.constant 25088 : i32
    %add3A_45 = arith.addi %mul3A_2, %add3A_44 : i32
    %dma_wait3A_46 = arith.constant 1 : i32
    %dma_wait3A_47 = arith.constant 0 : i32
    %dma_wait3A_48 = arith.constant 0 : i32
    %dma_wait3A_49 = tpu.memref_slice %arg6[%dma_wait3A_46, %dma_wait3A_47, %dma_wait3A_48] : memref<5x128x128xf32, #tpu.memory_space<vmem>> -> memref<1x128x128xf32, #tpu.memory_space<vmem>>
    %dma_wait3A_50 = tpu.memref_squeeze %dma_wait3A_49 : memref<1x128x128xf32, #tpu.memory_space<vmem>> -> memref<128x128xf32, #tpu.memory_space<vmem>>
    %dma_wait3A_51 = arith.constant 0 : i32
    %dma_wait3A_52 = tpu.memref_slice %arg4[%add3A_45, %dma_wait3A_51] : memref<819200x128xf32, #tpu.memory_space<hbm>> -> memref<128x128xf32, #tpu.memory_space<hbm>>
    %dma_wait3A_53 = arith.constant 0 : i32
    %dma_wait3A_54 = tpu.memref_slice %arg4[%add3A_45, %dma_wait3A_53] : memref<819200x128xf32, #tpu.memory_space<hbm>> -> memref<128x128xf32, #tpu.memory_space<hbm>>
    %dma_wait3A_55 = arith.constant 0 : i32
    %dma_wait3A_56 = arith.constant 0 : i32
    %dma_wait3A_57 = tpu.memref_slice %arg6[%dma_wait3A_46, %dma_wait3A_55, %dma_wait3A_56] : memref<5x128x128xf32, #tpu.memory_space<vmem>> -> memref<1x128x128xf32, #tpu.memory_space<vmem>>
    %dma_wait3A_58 = tpu.memref_squeeze %dma_wait3A_57 : memref<1x128x128xf32, #tpu.memory_space<vmem>> -> memref<128x128xf32, #tpu.memory_space<vmem>>
    tpu.wait_dma2 semaphore(%arg13 : memref<!tpu.dma_semaphore, #tpu.memory_space<semaphore_mem>>) src(%dma_wait3A_58 : memref<128x128xf32, #tpu.memory_space<vmem>>) dst(%dma_wait3A_54 : memref<128x128xf32, #tpu.memory_space<hbm>>)
    %add3A_59 = arith.constant 25216 : i32
    %add3A_60 = arith.addi %mul3A_2, %add3A_59 : i32
    %dma_wait3A_61 = arith.constant 2 : i32
    %dma_wait3A_62 = arith.constant 0 : i32
    %dma_wait3A_63 = arith.constant 0 : i32
    %dma_wait3A_64 = tpu.memref_slice %arg6[%dma_wait3A_61, %dma_wait3A_62, %dma_wait3A_63] : memref<5x128x128xf32, #tpu.memory_space<vmem>> -> memref<1x128x128xf32, #tpu.memory_space<vmem>>
    %dma_wait3A_65 = tpu.memref_squeeze %dma_wait3A_64 : memref<1x128x128xf32, #tpu.memory_space<vmem>> -> memref<128x128xf32, #tpu.memory_space<vmem>>
    %dma_wait3A_66 = arith.constant 0 : i32
    %dma_wait3A_67 = tpu.memref_slice %arg4[%add3A_60, %dma_wait3A_66] : memref<819200x128xf32, #tpu.memory_space<hbm>> -> memref<128x128xf32, #tpu.memory_space<hbm>>
    %dma_wait3A_68 = arith.constant 0 : i32
    %dma_wait3A_69 = tpu.memref_slice %arg4[%add3A_60, %dma_wait3A_68] : memref<819200x128xf32, #tpu.memory_space<hbm>> -> memref<128x128xf32, #tpu.memory_space<hbm>>
    %dma_wait3A_70 = arith.constant 0 : i32
    %dma_wait3A_71 = arith.constant 0 : i32
    %dma_wait3A_72 = tpu.memref_slice %arg6[%dma_wait3A_61, %dma_wait3A_70, %dma_wait3A_71] : memref<5x128x128xf32, #tpu.memory_space<vmem>> -> memref<1x128x128xf32, #tpu.memory_space<vmem>>
    %dma_wait3A_73 = tpu.memref_squeeze %dma_wait3A_72 : memref<1x128x128xf32, #tpu.memory_space<vmem>> -> memref<128x128xf32, #tpu.memory_space<vmem>>
    tpu.wait_dma2 semaphore(%arg14 : memref<!tpu.dma_semaphore, #tpu.memory_space<semaphore_mem>>) src(%dma_wait3A_73 : memref<128x128xf32, #tpu.memory_space<vmem>>) dst(%dma_wait3A_69 : memref<128x128xf32, #tpu.memory_space<hbm>>)
    %add3A_74 = arith.constant 25344 : i32
    %add3A_75 = arith.addi %mul3A_2, %add3A_74 : i32
    %dma_wait3A_76 = arith.constant 3 : i32
    %dma_wait3A_77 = arith.constant 0 : i32
    %dma_wait3A_78 = arith.constant 0 : i32
    %dma_wait3A_79 = tpu.memref_slice %arg6[%dma_wait3A_76, %dma_wait3A_77, %dma_wait3A_78] : memref<5x128x128xf32, #tpu.memory_space<vmem>> -> memref<1x128x128xf32, #tpu.memory_space<vmem>>
    %dma_wait3A_80 = tpu.memref_squeeze %dma_wait3A_79 : memref<1x128x128xf32, #tpu.memory_space<vmem>> -> memref<128x128xf32, #tpu.memory_space<vmem>>
    %dma_wait3A_81 = arith.constant 0 : i32
    %dma_wait3A_82 = tpu.memref_slice %arg4[%add3A_75, %dma_wait3A_81] : memref<819200x128xf32, #tpu.memory_space<hbm>> -> memref<128x128xf32, #tpu.memory_space<hbm>>
    %dma_wait3A_83 = arith.constant 0 : i32
    %dma_wait3A_84 = tpu.memref_slice %arg4[%add3A_75, %dma_wait3A_83] : memref<819200x128xf32, #tpu.memory_space<hbm>> -> memref<128x128xf32, #tpu.memory_space<hbm>>
    %dma_wait3A_85 = arith.constant 0 : i32
    %dma_wait3A_86 = arith.constant 0 : i32
    %dma_wait3A_87 = tpu.memref_slice %arg6[%dma_wait3A_76, %dma_wait3A_85, %dma_wait3A_86] : memref<5x128x128xf32, #tpu.memory_space<vmem>> -> memref<1x128x128xf32, #tpu.memory_space<vmem>>
    %dma_wait3A_88 = tpu.memref_squeeze %dma_wait3A_87 : memref<1x128x128xf32, #tpu.memory_space<vmem>> -> memref<128x128xf32, #tpu.memory_space<vmem>>
    tpu.wait_dma2 semaphore(%arg15 : memref<!tpu.dma_semaphore, #tpu.memory_space<semaphore_mem>>) src(%dma_wait3A_88 : memref<128x128xf32, #tpu.memory_space<vmem>>) dst(%dma_wait3A_84 : memref<128x128xf32, #tpu.memory_space<hbm>>)
    %add3A_89 = arith.constant 25472 : i32
    %add3A_90 = arith.addi %mul3A_2, %add3A_89 : i32
    %dma_wait3A_91 = arith.constant 4 : i32
    %dma_wait3A_92 = arith.constant 0 : i32
    %dma_wait3A_93 = arith.constant 0 : i32
    %dma_wait3A_94 = tpu.memref_slice %arg6[%dma_wait3A_91, %dma_wait3A_92, %dma_wait3A_93] : memref<5x128x128xf32, #tpu.memory_space<vmem>> -> memref<1x128x128xf32, #tpu.memory_space<vmem>>
    %dma_wait3A_95 = tpu.memref_squeeze %dma_wait3A_94 : memref<1x128x128xf32, #tpu.memory_space<vmem>> -> memref<128x128xf32, #tpu.memory_space<vmem>>
    %dma_wait3A_96 = arith.constant 0 : i32
    %dma_wait3A_97 = tpu.memref_slice %arg4[%add3A_90, %dma_wait3A_96] : memref<819200x128xf32, #tpu.memory_space<hbm>> -> memref<128x128xf32, #tpu.memory_space<hbm>>
    %dma_wait3A_98 = arith.constant 0 : i32
    %dma_wait3A_99 = tpu.memref_slice %arg4[%add3A_90, %dma_wait3A_98] : memref<819200x128xf32, #tpu.memory_space<hbm>> -> memref<128x128xf32, #tpu.memory_space<hbm>>
    %dma_wait3A_100 = arith.constant 0 : i32
    %dma_wait3A_101 = arith.constant 0 : i32
    %dma_wait3A_102 = tpu.memref_slice %arg6[%dma_wait3A_91, %dma_wait3A_100, %dma_wait3A_101] : memref<5x128x128xf32, #tpu.memory_space<vmem>> -> memref<1x128x128xf32, #tpu.memory_space<vmem>>
    %dma_wait3A_103 = tpu.memref_squeeze %dma_wait3A_102 : memref<1x128x128xf32, #tpu.memory_space<vmem>> -> memref<128x128xf32, #tpu.memory_space<vmem>>
    tpu.wait_dma2 semaphore(%arg16 : memref<!tpu.dma_semaphore, #tpu.memory_space<semaphore_mem>>) src(%dma_wait3A_103 : memref<128x128xf32, #tpu.memory_space<vmem>>) dst(%dma_wait3A_99 : memref<128x128xf32, #tpu.memory_space<hbm>>)
    return
  }
}

</mosaic_0001>

<sc_bundles>
// kernel: kernel.3.cloned.1.call-start
scs
__scs_entry_jumppad:
0x0: {  	(pc) =	sbr.rel $0x88, $3  }
0x1: {  	(tag) =	ssettag $0x0;
	lr =	simm.s32 $0x1  }
0x2: {  	[smem:$0x3F9F] =	sst lr;
	_ =	strace $0xD0000000  }
0x3: {  	_ = 	snop  }
0x4: {  	_ = 	snop  }
0x5: {  	_ = 	snop  }
0x6: {  	_ = 	snop  }
0x7: {  	_ = 	snop  }
__scs_overlays_trampoline_lowered:
0x8: {  	[smem:$0x3FAE] =	sst s0  }
0x9: {  	[smem:$0x3FAF] =	sst s1  }
0xa: {  	[smem:$0x3FB0] =	sst s2  }
0xb: {  	[smem:$0x3FB1] =	sst s3  }
0xc: {  	[smem:$0x3FB2] =	sst s4  }
0xd: {  	[smem:$0x3FB3] =	sst s5  }
0xe: {  	[smem:$0x3FB4] =	sst s6  }
0xf: {  	[smem:$0x3FB5] =	sst s7  }
0x10: {  	[smem:$0x3FB6] =	sst s8  }
0x11: {  	[smem:$0x3FB7] =	sst s9;
	s0 =	simm.s32 @!p0 $0x0  }
0x12: {  	s1 =	sld [smem:$0x3F9D];
	s0 =	simm.s32 @p0 $0x1  }
0x13: {  	[smem:$0x3FB8] =	sst s0;
	s0 =	simm.s32 @!p1 $0x0  }
0x14: {  	s2 =	sld [smem:$0x3F9C];
	s0 =	simm.s32 @p1 $0x1  }
0x15: {  	[smem:$0x3FB9] =	sst s0;
	s0 =	simm.s32 @!p2 $0x0  }
0x16: {  	s3 =	sld [smem:$0x3FDB];
	s0 =	simm.s32 @p2 $0x1  }
0x17: {  	s4 =	simm.s32 $0x1BF5;
	[smem:$0x3FBB] =	sst s0  }
0x18: {  	s0 =	sld [smem:$0x3F9E];
	_ =	swait.ge [sflag:s4], $0x0  }
0x19: {  	s7 =	sld [smem:$0x3F9F]  }
0x1a: {  	s8 =	sadd.s32 $0xFFFFE003, lr  }
0x1b: {  	s9 =	sadd.s32 $0xFFFFFEF7, lr;
	s5 =	simm.s32 $0xFFFFFFFF;
	p2 =	slt.u32 s8, $0xFFFFF086  }
0x1c: {  	p1 =	slt.u32 s9, $0xF7A;
	s5 =	simm.s32 @!p2 $0x0  }
0x1d: {  	s5 =	simm.s32 @p1 $0x1;
	p0 =	seq.s32 s7, s2  }
0x1e: {  	s7 =	smul.u32 @!p0 $0xF7A, s2;
	p2 =	seq.s32 @!p0 s5, $0x0  }
0x1f: {  	s9 =	smul.u32 $0xF7A, s1;
	s8 =	simm.s32 @!p0 $0x1BF5;
	p2 =	por !p2, p0  }
0x20: {  	[sflag:s8] =	ssyncset.s32 @!p0 $0xFFFFF086;
	s6 =	sadd.s32 @!p0 s3, s7;
	s7 =	simm.s32 @!p0 $0x108  }
0x21: {  	s3 =	sadd.s32 s3, s9;
	s6 =	sadd.s32 @!p0 $0x88, s6;
	s7 =	simm.s32 @p2 $0x1082  }
0x22: {  	[simem:s7], [sflag:s8] =	dma.local @!p0 [hbm:s6], $0xF7A  }
0x23: {  	s9 =	sor.u32 $0xD0000000, s2;
	s6 =	simm.s32 $0x108;
	_ =	swait.ge @!p0 [sflag:s8], $0x0  }
0x24: {  	s3 =	sadd.s32 $0x88, s3;
	s6 =	simm.s32 @!p1 $0x1082;
	[sflag:s4] =	ssyncset.s32 $0xFFFFF086  }
0x25: {  	[simem:s6], [sflag:s4] =	dma.local [hbm:s3], $0xF7A  }
0x26: {  	[smem:$0x3F9F] =	sst s1;
	(tag) =	ssettag s2;
	_ =	strace s9  }
0x27: {  	s1 =	sld [smem:$0x3FAF]  }
0x28: {  	s2 =	sld [smem:$0x3FB0]  }
0x29: {  	s4 =	sld [smem:$0x3FB2]  }
0x2a: {  	p0 =	seq.s32 s5, $0x0;
	s5 =	sld [smem:$0x3FB3]  }
0x2b: {  	s6 =	sld [smem:$0x3FB4]  }
0x2c: {  	s7 =	sld [smem:$0x3FB5]  }
0x2d: {  	s3 =	simm.s32 $0x108;
	s8 =	sld [smem:$0x3FB6]  }
0x2e: {  	s3 =	simm.s32 @!p0 $0x1082;
	s9 =	sld [smem:$0x3FB7]  }
0x2f: {  	lr =	sadd.s32 s0, s3;
	s0 =	sld [smem:$0x3FAE]  }
0x30: {  	s3 =	sld [smem:$0x3FB1]  }
0x31: {  	[smem:$0x3FBA] =	sst s10  }
0x32: {  	s10 =	sld [smem:$0x3FB8];
	_ =	sdelay $0x3  }
0x33: {  	p0 =	seq.s32 s10, $0x1;
	s10 =	sld [smem:$0x3FBA];
	_ =	sdelay $0x3  }
0x34: {  	[smem:$0x3FBA] =	sst s10  }
0x35: {  	s10 =	sld [smem:$0x3FB9];
	_ =	sdelay $0x3  }
0x36: {  	p1 =	seq.s32 s10, $0x1;
	s10 =	sld [smem:$0x3FBA];
	_ =	sdelay $0x3  }
0x37: {  	[smem:$0x3FBA] =	sst s10  }
0x38: {  	s10 =	sld [smem:$0x3FBB]  }
0x39: {  	_ = 	snop;
	(pc) =	sbr.ind lr, $3  }
0x3a: {  	_ = 	snop  }
0x3b: {  	_ = 	snop  }
0x3c: {  	p2 =	seq.s32 s10, $0x1;
	s10 =	sld [smem:$0x3FBA]  }
0x3d: {  	_ =	shalt  }
0x3e: {  	_ =	shalt  }
0x3f: {  	_ =	shalt  }
0x40: {  	_ =	shalt  }
0x41: {  	_ =	shalt  }
0x42: {  	_ =	shalt  }
0x43: {  	_ =	shalt  }
0x44: {  	_ =	shalt  }
0x45: {  	_ =	shalt  }
0x46: {  	_ =	shalt  }
0x47: {  	_ =	shalt  }
0x48: {  	_ =	shalt  }
0x49: {  	_ =	shalt  }
0x4a: {  	_ =	shalt  }
0x4b: {  	_ =	shalt  }
0x4c: {  	_ =	shalt  }
0x4d: {  	_ =	shalt  }
0x4e: {  	_ =	shalt  }
0x4f: {  	_ =	shalt  }
0x50: {  	_ =	shalt  }
0x51: {  	_ =	shalt  }
0x52: {  	_ =	shalt  }
0x53: {  	_ =	shalt  }
0x54: {  	_ =	shalt  }
0x55: {  	_ =	shalt  }
0x56: {  	_ =	shalt  }
0x57: {  	_ =	shalt  }
0x58: {  	_ =	shalt  }
0x59: {  	_ =	shalt  }
0x5a: {  	_ =	shalt  }
0x5b: {  	_ =	shalt  }
0x5c: {  	_ =	shalt  }
0x5d: {  	_ =	shalt  }
0x5e: {  	_ =	shalt  }
0x5f: {  	_ =	shalt  }
0x60: {  	_ =	shalt  }
0x61: {  	_ =	shalt  }
0x62: {  	_ =	shalt  }
0x63: {  	_ =	shalt  }
0x64: {  	_ =	shalt  }
0x65: {  	_ =	shalt  }
0x66: {  	_ =	shalt  }
0x67: {  	_ =	shalt  }
0x68: {  	_ =	shalt  }
0x69: {  	_ =	shalt  }
0x6a: {  	_ =	shalt  }
0x6b: {  	_ =	shalt  }
0x6c: {  	_ =	shalt  }
0x6d: {  	_ =	shalt  }
0x6e: {  	_ =	shalt  }
0x6f: {  	_ =	shalt  }
0x70: {  	_ =	shalt  }
0x71: {  	_ =	shalt  }
0x72: {  	_ =	shalt  }
0x73: {  	_ =	shalt  }
0x74: {  	_ =	shalt  }
0x75: {  	_ =	shalt  }
0x76: {  	_ =	shalt  }
0x77: {  	_ =	shalt  }
0x78: {  	_ =	shalt  }
0x79: {  	_ =	shalt  }
0x7a: {  	_ =	shalt  }
0x7b: {  	_ =	shalt  }
0x7c: {  	_ =	shalt  }
0x7d: {  	_ =	shalt  }
0x7e: {  	_ =	shalt  }
0x7f: {  	_ =	shalt  }
0x80: {  	_ =	shalt  }
0x81: {  	_ =	shalt  }
0x82: {  	_ =	shalt  }
0x83: {  	_ =	shalt  }
0x84: {  	_ =	shalt  }
0x85: {  	_ =	shalt  }
0x86: {  	_ =	shalt  }
0x87: {  	_ =	shalt  }
.Lfunc_end0:
.L_simem_size_0:
called_computation_lowered:
.L_overlay_start_0:
0x88: {  	s2 =	sld [smem:$0x3FD9]  }
0x89: {  	s3 =	sld [smem:$0x3FFE];
	_ =	sdelay $0x1  }
0x8a: {  	s1 =	srdreg.scid  }
0x8b: {  	s0 =	sand.u32 $0x1, s1  }
0x8c: {  	s17 =	sshll.u32 s0, $0xA;
	s2 =	sadd.s32 s3, s2  }
0x8d: {  	s2 =	sadd.s32 s2, s17  }
0x8e: {  	[smem:$0x3FC6] =	sst s2  }
0x8f: {  	_ = 	snop  }
0x90: {  	s2 =	sld [smem:$0x3FC9]  }
0x91: {  	s18 =	sld [smem:$0x3FD0];
	(tm) =	ssettm $0x1  }
0x92: {  	s4 =	sld [smem:$0x3FFB];
	_ =	sdelay $0x3  }
0x93: {  	_ =	strace s4  }
0x94: {  	s4 =	sld [smem:$0x3FFC];
	_ =	sdelay $0x3  }
0x95: {  	_ =	strace s4  }
0x96: {  	s4 =	sld [smem:$0x3FFD];
	_ =	sdelay $0x3  }
0x97: {  	_ =	strace s4  }
0x98: {  	_ =	strace $0x8FFFFFFF  }
0x99: {  	s19 =	sld [smem:$0x3FDB];
	_ =	sdelay $0x1  }
0x9a: {  	s5 =	simm.s32 $_scs_section_size  }
0x9b: {  	s6 =	simm.s32 $_size__tile_overlayer_lowered;
	s7 =	simm.s32 $_tile_overlayer_lowered  }
0x9c: {  	s22 =	simm.s32 $0x1BFF;
	s21 =	sshll.u32 s7, $0x1;
	s4 =	sadd.s32 s5, s19  }
0x9d: {  	s8 =	simm.s32 $0x0;
	s20 =	sshll.u32 s6, $0x1;
	s6 =	sadd.s32 s21, s4  }
0x9e: {  	[timem:s8], [sflag:s22] =	dma.local [hbm:s6], s20  }
0x9f: {  	_ =	swait.ge [sflag:s22], s20  }
0xa0: {  	s5 =	ssub.s32 $0x0, s20;
	[sflag:s22] =	ssyncset.done $0x0  }
0xa1: {  	[sflag:s22] =	ssyncadd.s32 s5;
	_ =	sdelay $0x1  }
0xa2: {  	s23 =	simm.s32 $0x1B8B  }
0xa3: {  	_ =	swait.ge [sflag:s23], $0x1  }
0xa4: {  	[sflag:s23] =	ssyncset.done $0x0  }
0xa5: {  	s25 =	simm.s32 $0x1B8E;
	s24 =	sld [smem:$0x3FFE];
	[sflag:s23] =	ssyncadd.s32 $0xFFFFFFFF  }
0xa6: {  	s26 =	simm.s32 $execute0_lowered;
	[smem:$0x3FD2] =	sst s25  }
0xa7: {  	s6 =	sshll.u32 s26, $0x1;
	_ =	strace $0x80000046;
	[dreg:$0x1] =	wrdreg $0xFFFFFFFF  }
0xa8: {  	s28 =	simm.s32 $_size_execute0_lowered;
	s4 =	sadd.s32 s4, s6;
	[dreg:$0x0] =	wrdreg $0x0  }
0xa9: {  	s6 =	sshll.u32 s28, $0x1;
	[dreg:$0x2] =	wrdreg s4  }
0xaa: {  	[dreg:$0x3] =	wrdreg s6  }
0xab: {  	[dreg:$0x4] =	wrdreg $0xC0  }
0xac: {  	_ =	task [dreg:s8], $0x5FFFF  }
0xad: {  	[dreg:$0x1] =	wrdreg $0xFFFFFFFF  }
0xae: {  	[dreg:$0x0] =	wrdreg $0x60  }
0xaf: {  	[dreg:$0x2] =	wrdreg s24  }
0xb0: {  	[dreg:$0x3] =	wrdreg s2  }
0xb1: {  	[dreg:$0x4] =	wrdreg s18  }
0xb2: {  	[dreg:$0x5] =	wrdreg $0x9  }
0xb3: {  	_ =	task.clear_ibuf [dreg:s8], $0x6FFFF;
	_ =	strace $0x90000046  }
0xb4: {  	s29 =	simm.s32 $0x9;
	_ =	strace $0x80000048  }
0xb5: {  	_ =	swait.ge [sflag:s29], $0x1  }
0xb6: {  	[sflag:s29] =	ssyncadd.s32 $0xFFFFFFFF  }
0xb7: {  	_ =	strace $0x90000048  }
0xb8: {  	_ =	sfence  }
0xb9: {  	s30 =	sld [smem:$0x0];
	_ =	sdelay $0x2  }
0xba: {  	s31 =	sshll.u32 s1, $0xD;
	s1 =	sshrl.u32 s1, $0x2  }
0xbb: {  	s3 =	sand.u32 $0x4000, s31;
	s1 =	sadd.s32 s1, s30  }
0xbc: {  	s0 =	sor.u32 s3, s0;
	s1 =	sshll.u32 s1, $0x11  }
0xbd: {  	s0 =	sor.u32 s1, s0  }
0xbe: {  	s0 =	sadd.s32 $0x8F2B, s0  }
0xbf: {  	[sflag:s0] =	ssyncadd.remote.s32 $0x1  }
0xc0: {  	_ =	sfence.sel $0xFFFF  }
0xc1: {  	[dreg:$0x0] =	wrdreg $0xFFFFFFFF;
	(pc) =	sbr.abs _section_cstart, $3  }
0xc2: {  	[dreg:$0x1] =	wrdreg $0xFFFFFFFF  }
0xc3: {  	_ =	task.clear_ibuf [dreg:s8], $0x2FFFF;
	_ =	strace $0x9FFFFFFF  }
0xc4: {  	(tm) =	ssettm $0x7FFFFFFF  }
0xc5: {  	_ =	shalt  }
tec
execute0_lowered:
.L_overlay_start_1:
0x0: {  	(tag) =	ssettag $0x1  }
0x1: {  	s0 =	srdreg.scid  }
0x2: {  	s9 =	stileid.u32;
	s1 =	rddreg [dreg:$0x0]  }
0x3: {  	s2 =	rddreg [dreg:$0x1];
	s11 =	simm.s32 $0xB;
	s12 =	simm.s32 $0x80  }
0x4: {  	s13 =	simm.s32 $0x6400;
	s14 =	simm.s32 $0xA400;
	s15 =	simm.s32 $0x1  }
0x5: {  	s16 =	simm.s32 $0xE400;
	s17 =	simm.s32 $0x2;
	s18 =	simm.s32 $0x12400  }
0x6: {  	s19 =	simm.s32 $0x3;
	s20 =	simm.s32 $0x16400;
	s21 =	simm.s32 $0x4  }
0x7: {  	s22 =	simm.s32 $0x5;
	s23 =	simm.s32 $0x6;
	s7 =	smul.u32 $0xC8000, s9  }
0x8: {  	s0 =	sand.u32 $0x1, s0;
	s3 =	sshll.u32 s9, $0x1;
	s9 =	smul.u32 $0x640000, s9  }
0x9: {  	s24 =	simm.s32 $0x7;
	s25 =	simm.s32 $0x8;
	s8 =	smul.u32 $0x64000, s0  }
0xa: {  	s4 =	sor.u32 s0, s3;
	s6 =	ssub.s32 $0x2, s0;
	s0 =	smul.u32 $0x320000, s0  }
0xb: {  	s28 =	simm.s32 $0xA;
	s5 =	smul.u32 $0x6400, s4;
	s4 =	simm.s32 $0x0  }
0xc: {  	s29 =	simm.s32 $0x0;
	s26 =	sshrl.u32 s6, $0x1;
	[smem:$0x7FF] =	sst s4  }
0xd: {  	s6 =	ssub.s32 s6, s26;
	s7 =	sadd.s32 s8, s7;
	s0 =	sadd.s32 s0, s9  }
.Ltmp0:
0xe: {  	s26 =	simm.s32 $0x9;
	s5 =	sshrl.u32 s5, $0x3;
	(pc) =	sbr.rel .LBB2_1-.Ltmp0, $4  }
0xf: {  	_ =	strace $0x80000047;
	s30 =	smax.u32 s6, $0x1;
	s31 =	sor.u32 $0x10000, s0  }
0x10: {  	s9 =	sor.u32 $0xC000, s0;
	s0 =	sor.u32 $0x8000, s0;
	s1 =	sadd.s32 s5, s1  }
0x11: {  	[dreg:$0x5] =	wrdreg s30;
	s8 =	sshrl.u32 s31, $0x3;
	s1 =	sadd.s32 $0x400, s1  }
0x12: {  	s9 =	sshrl.u32 s9, $0x3;
	s10 =	sshrl.u32 s0, $0x3;
	[dreg:$0x4] =	wrdreg s1  }
.LBB2_4:
0x13: {  	_ =	swait.ge [sflag:s23], $0x4000  }
0x14: {  	[sflag:s23] =	ssyncset.done $0x0  }
0x15: {  	[sflag:s23] =	ssyncadd.s32 $0xFFFFC000  }
0x16: {  	_ =	swait.ge [sflag:s24], $0x4000  }
0x17: {  	[sflag:s24] =	ssyncset.done $0x0  }
0x18: {  	[sflag:s24] =	ssyncadd.s32 $0xFFFFC000  }
0x19: {  	_ =	swait.ge [sflag:s25], $0x4000  }
0x1a: {  	[sflag:s25] =	ssyncset.done $0x0  }
0x1b: {  	[sflag:s25] =	ssyncadd.s32 $0xFFFFC000  }
0x1c: {  	_ =	swait.ge [sflag:s26], $0x4000  }
0x1d: {  	[sflag:s26] =	ssyncset.done $0x0  }
0x1e: {  	[sflag:s26] =	ssyncadd.s32 $0xFFFFC000  }
0x1f: {  	_ =	swait.ge [sflag:s28], $0x4000  }
0x20: {  	s29 =	sadd.s32 $0x1, s29;
	s0 =	rddreg [dreg:$0x5]  }
0x21: {  	p0 =	sne.s32 s29, s0  }
.Ltmp1:
0x22: {  	_ = 	snop;
	(pc) =	sbr.rel @!p0 .LBB2_5-.Ltmp1, $3  }
0x23: {  	_ =	sdelay $0x1  }
0x24: {  	[sflag:s28] =	ssyncset.done $0x0  }
0x25: {  	[sflag:s28] =	ssyncadd.s32 $0xFFFFC000  }
.LBB2_1:
0x26: {  	s0 =	rddreg [dreg:$0x4]  }
0x27: {  	[tilespmem:s4], [sflag:$0xB] =	stream.linear.gather [hbm4b:s0+s4], $0x6400, $0x38;
	[tilespmem:$0x1A400] =	vst v63  }
0x28: {  	_ =	swait.ge [sflag:s11], $0x6400  }
0x29: {  	[sflag:s11] =	ssyncset.done $0x0  }
0x2a: {  	[sflag:s11] =	ssyncadd.s32 $0xFFFF9C00  }
0x2b: {  	[tilespmem:s13], [sflag:$0x1] =	stream.indirect.gather [hbm4b:s2+s12], $0x80, s4, s12, $0xb8;
	[tilespmem:$0x1A400] =	vst v63  }
0x2c: {  	s30 =	simm.s32 $0xFFFFFFFD;
	s1 =	simm.s32 $0x0;
	s31 =	rddreg [dreg:$0x2]  }
0x2d: {  	[tilespmem:s14], [sflag:$0x2] =	stream.indirect.gather [hbm4b:s2+s12], $0x80, s12, s12, $0xb8;
	[tilespmem:$0x1A400] =	vst v63  }
.LBB2_2:
0x2e: {  	_ =	swait.ge [sflag:s15], $0x4000  }
0x2f: {  	p0 =	sgt.u32 s30, $0xC2;
	[sflag:s15] =	ssyncset.done $0x0  }
0x30: {  	s3 =	sadd.s32 s31, s7;
	s5 =	simm.s32 @!p0 $0x8;
	[sflag:s15] =	ssyncadd.s32 $0xFFFFC000  }
0x31: {  	[hbm4b:s3+s4] =	stream.linear.scatter [tilespmem:s13], [sflag:$0x6], $0x4000, $0x38;
	[tilespmem:$0x1A400] =	vst v63  }
0x32: {  	_ =	swait.ge @!p0 [sflag:s5], $0x4000  }
0x33: {  	s0 =	sshra.s32 s1, $0x2;
	[sflag:s5] =	ssyncset.done @!p0 $0x0  }
0x34: {  	s6 =	sadd.s32 $0x100, s0;
	[sflag:s5] =	ssyncadd.s32 @!p0 $0xFFFFC000  }
0x35: {  	[tilespmem:s16], [sflag:$0x3] =	stream.indirect.gather [hbm4b:s2+s12], $0x80, s6, s12, $0xb8;
	[tilespmem:$0x1A400] =	vst v63  }
0x36: {  	_ =	swait.ge [sflag:s17], $0x4000  }
0x37: {  	s6 =	sadd.s32 $0x1, s30;
	[sflag:s17] =	ssyncset.done $0x0  }
0x38: {  	s3 =	sadd.s32 $0x800, s3;
	p0 =	sgt.u32 s6, $0xC2;
	[sflag:s17] =	ssyncadd.s32 $0xFFFFC000  }
0x39: {  	[hbm4b:s3+s4] =	stream.linear.scatter [tilespmem:s14], [sflag:$0x7], $0x4000, $0x38;
	[tilespmem:$0x1A400] =	vst v63  }
0x3a: {  	s3 =	simm.s32 @!p0 $0x9  }
0x3b: {  	_ =	swait.ge @!p0 [sflag:s3], $0x4000  }
0x3c: {  	[sflag:s3] =	ssyncset.done @!p0 $0x0  }
0x3d: {  	s5 =	sadd.s32 $0x180, s0;
	[sflag:s3] =	ssyncadd.s32 @!p0 $0xFFFFC000  }
0x3e: {  	[tilespmem:s18], [sflag:$0x4] =	stream.indirect.gather [hbm4b:s2+s12], $0x80, s5, s12, $0xb8;
	[tilespmem:$0x1A400] =	vst v63  }
0x3f: {  	s5 =	sadd.s32 $0x2, s30;
	_ =	swait.ge [sflag:s19], $0x4000  }
0x40: {  	p0 =	sgt.u32 s5, $0xC2;
	[sflag:s19] =	ssyncset.done $0x0  }
0x41: {  	s6 =	sadd.s32 s31, s10;
	s3 =	simm.s32 @!p0 $0xA;
	[sflag:s19] =	ssyncadd.s32 $0xFFFFC000  }
0x42: {  	[hbm4b:s6+s4] =	stream.linear.scatter [tilespmem:s16], [sflag:$0x8], $0x4000, $0x38;
	[tilespmem:$0x1A400] =	vst v63  }
0x43: {  	_ =	swait.ge @!p0 [sflag:s3], $0x4000  }
0x44: {  	[sflag:s3] =	ssyncset.done @!p0 $0x0  }
0x45: {  	s6 =	sadd.s32 $0x200, s0;
	[sflag:s3] =	ssyncadd.s32 @!p0 $0xFFFFC000  }
0x46: {  	[tilespmem:s20], [sflag:$0x5] =	stream.indirect.gather [hbm4b:s2+s12], $0x80, s6, s12, $0xb8;
	[tilespmem:$0x1A400] =	vst v63  }
0x47: {  	_ =	swait.ge [sflag:s21], $0x4000  }
0x48: {  	p0 =	seq.s32 s1, $0x18600;
	[sflag:s21] =	ssyncset.done $0x0  }
0x49: {  	s5 =	sadd.s32 s31, s9;
	s3 =	simm.s32 @!p0 $0x6;
	[sflag:s21] =	ssyncadd.s32 $0xFFFFC000  }
0x4a: {  	[hbm4b:s5+s4] =	stream.linear.scatter [tilespmem:s18], [sflag:$0x9], $0x4000, $0x38;
	[tilespmem:$0x1A400] =	vst v63  }
0x4b: {  	_ =	swait.ge @!p0 [sflag:s3], $0x4000  }
0x4c: {  	[sflag:s3] =	ssyncset.done @!p0 $0x0  }
0x4d: {  	[sflag:s3] =	ssyncadd.s32 @!p0 $0xFFFFC000;
	s3 =	sshra.s32 @!p0 s1, $0x2  }
0x4e: {  	s6 =	simm.s32 @!p0 $0x6400;
	s5 =	simm.s32 @!p0 $0x80;
	s3 =	sadd.s32 @!p0 $0x280, s3  }
0x4f: {  	[tilespmem:s6], [sflag:$0x1] =	stream.indirect.gather @!p0 [hbm4b:s2+s5], $0x80, s3, s5, $0xb8;
	[tilespmem:$0x1A400] =	vst v63  }
.Ltmp2:
0x50: {  	_ = 	snop;
	(pc) =	sbr.rel @p0 .LBB2_4-.Ltmp2, $4  }
0x51: {  	_ =	swait.ge [sflag:s22], $0x4000  }
0x52: {  	[sflag:s22] =	ssyncset.done $0x0  }
0x53: {  	s6 =	sadd.s32 s31, s8;
	[sflag:s22] =	ssyncadd.s32 $0xFFFFC000  }
0x54: {  	[hbm4b:s6+s4] =	stream.linear.scatter [tilespmem:s20], [sflag:$0xA], $0x4000, $0x38;
	[tilespmem:$0x1A400] =	vst v63  }
.Ltmp3:
0x55: {  	(pc) =	sbr.rel .LBB2_2-.Ltmp3, $4  }
0x56: {  	_ =	swait.ge [sflag:s24], $0x4000  }
0x57: {  	s0 =	sadd.s32 $0x300, s0;
	s1 =	sadd.s32 $0xA00, s1;
	[sflag:s24] =	ssyncset.done $0x0  }
0x58: {  	s31 =	sadd.s32 $0x2800, s31;
	s30 =	sadd.s32 $0x5, s30;
	[sflag:s24] =	ssyncadd.s32 $0xFFFFC000  }
0x59: {  	[tilespmem:s14], [sflag:$0x2] =	stream.indirect.gather [hbm4b:s2+s12], $0x80, s0, s12, $0xb8;
	[tilespmem:$0x1A400] =	vst v63  }
.LBB2_5:
0x5a: {  	_ =	sfence.sel $0x180000  }
0x5b: {  	[bflag:$0x0] =	sbarrier.arrive $0xFFFF  }
0x5c: {  	_ =	strace $0x90000047  }
0x5d: {  	s0 =	stileid.u32;
	[bflag:$0x2] =	sbarrier.arrive $0xFFFF  }
0x5e: {  	p0 =	sne.s32 s0, $0x0;
	s0 =	rddreg [dreg:$0x3]  }
0x5f: {  	s0 =	sadd.s32 @!p0 $0x100000, s0  }
0x60: {  	[sflag:s0] =	ssyncadd.tile.s32 @!p0 $0x1;
	_ =	shalt  }
.Lfunc_end2:
_tile_overlayer_lowered:
.L_overlay_start_2:
0x61: {  	(tag) =	ssettag $0x2  }
0x62: {  	s0 =	rddreg [dreg:$0x0];
	s2 =	stileid.u32  }
0x63: {  	s1 =	rddreg [dreg:$0x1];
	p0 =	sne.s32 s2, $0x0  }
0x64: {  	s3 =	rddreg [dreg:$0x2];
	[bflag:$0x3] =	sbarrier.arrive $0xFFFF;
	s2 =	simm.s32 @!p0 $0x1C0B  }
0x65: {  	[timem:s3], [sflag:s2] =	dma.local @!p0 [hbm:s0], s1  }
0x66: {  	s0 =	simm.s32 @!p0 $0xB  }
0x67: {  	_ =	swait.ge @!p0 [sflag:s0], s1  }
0x68: {  	s1 =	ssub.s32 @!p0 $0x0, s1;
	[sflag:s0] =	ssyncset.done @!p0 $0x0  }
0x69: {  	[sflag:s0] =	ssyncadd.s32 @!p0 s1  }
0x6a: {  	[bflag:$0x3] =	sbarrier.arrive $0xFFFF  }
0x6b: {  	_ =	shalt  }

</sc_bundles>
